<compile_context>
chip_gen: v7x
topology: tpu7x:2x2x1
jax: 0.10.2.dev20260603
libtpu: 0.0.44.dev20260713+nightly
codegen_flags: <defaults>
</compile_context>

<pallas_src>
import jax
import jax.numpy as jnp
from jax.experimental import pallas as pl
from jax.experimental.pallas import tpu as pltpu
from jax.experimental.pallas import tpu_sc as plsc

B, A, O, C = 16, 20000, 32, 128
NEGPOS_RATIO = 7
OVERLAP = 0.35
TA = 5120
NA = 4
A_PAD = TA * NA


def _k1_body(ypb_ref, ypc_ref, ytb_ref, ytc_ref, pr_ref,
             lc_ref, hp_ref, part_ref):
    b = pl.program_id(0)
    j = pl.program_id(1)

    x = ypc_ref[0]
    pb4 = ypb_ref[0]
    pr4 = pr_ref[...]
    gt = ytb_ref[b]
    tgt = ytc_ref[b]

    lane_ids = j * TA + jax.lax.broadcasted_iota(jnp.int32, (1, TA), 1)
    valid_row = lane_ids < A

    def _sanitize(xv):
        sub_ids = j * TA + jax.lax.broadcasted_iota(jnp.int32, (TA, 1), 0)
        return jnp.where(sub_ids < A, xv, 0.0)

    x = jax.lax.cond(j == NA - 1, _sanitize, lambda xv: xv, x)

    pcx, pcy, pw, ph = pr4[0:1], pr4[1:2], pr4[2:3], pr4[3:4]
    pbx, pby, pbw, pbh = pb4[0:1], pb4[1:2], pb4[2:3], pb4[3:4]
    px1, px2 = pcx - pw * 0.5, pcx + pw * 0.5
    py1, py2 = pcy - ph * 0.5, pcy + ph * 0.5
    area_p = pw * ph
    inv_pw = 1.0 / (pw * 0.1)
    inv_ph = 1.0 / (ph * 0.1)
    log_pw = jnp.log(pw)
    log_ph = jnp.log(ph)

    gcx, gcy = gt[:, 0:1], gt[:, 1:2]
    gw, gh = gt[:, 2:3], gt[:, 3:4]
    gx1, gx2 = gcx - gw * 0.5, gcx + gw * 0.5
    gy1, gy2 = gcy - gh * 0.5, gcy + gh * 0.5
    area_g = gw * gh
    log_gw = jnp.log(gw)
    log_gh = jnp.log(gh)

    sp_row = OVERLAP * (area_p + 1e-9)
    sg_col = OVERLAP * area_g
    iw = jnp.maximum(jnp.minimum(px2, gx2) - jnp.maximum(px1, gx1), 0.0)
    ih = jnp.maximum(jnp.minimum(py2, gy2) - jnp.maximum(py1, gy1), 0.0)
    inter = iw * ih
    positives = ((1.0 + OVERLAP) * inter > sp_row + sg_col) & valid_row
    pos_f = positives.astype(jnp.float32)

    ones_row = jnp.ones((1, O), dtype=jnp.float32)
    cnt_row = jnp.dot(ones_row, pos_f,
                      preferred_element_type=jnp.float32)
    has_pos_row = cnt_row > 0.0
    np_f = jnp.sum(has_pos_row.astype(jnp.float32))
    excl = jnp.where(has_pos_row | jnp.logical_not(valid_row), 1.0, 0.0)
    hp_ref[0] = excl

    e = jnp.exp(x)
    ones_c = jnp.ones((C, 1), dtype=jnp.float32)
    oh0 = jnp.where(
        jax.lax.broadcasted_iota(jnp.int32, (C, 1), 0) == 0, 1.0, 0.0)
    s_col = jnp.dot(e, ones_c, preferred_element_type=jnp.float32)
    x0e_col = jnp.dot(e, oh0, preferred_element_type=jnp.float32)
    lse = jnp.log(s_col)
    x0 = jnp.log(x0e_col)
    lc_ref[0, 0] = jnp.reshape(lse - x0, (TA // 128, 128))

    G = jnp.dot(pos_f, x, preferred_element_type=jnp.float32)
    iota_c = jax.lax.broadcasted_iota(jnp.int32, (O, C), 1)
    conf_sum = jnp.sum(jnp.where(iota_c == tgt, G, 0.0))
    lse_cnt = jnp.sum(jnp.dot(pos_f, lse,
                              preferred_element_type=jnp.float32))
    ce_pos = lse_cnt - conf_sum

    u0 = pbx + pcx * inv_pw
    u1 = pby + pcy * inv_ph
    u2 = pbw + 5.0 * log_pw
    u3 = pbh + 5.0 * log_ph
    w2 = 5.0 * log_gw
    w3 = 5.0 * log_gh
    d0 = u0 - gcx * inv_pw
    d1 = u1 - gcy * inv_ph
    d2 = u2 - w2
    d3 = u3 - w3

    def sl1(d):
        ad = jnp.abs(d)
        c = jnp.minimum(ad, 1.0)
        return c * (ad - 0.5 * c)

    sl1_tot = sl1(d0) + sl1(d1) + sl1(d2) + sl1(d3)
    box_s = jnp.sum(jnp.where(positives, sl1_tot, 0.0))

    lane = jax.lax.broadcasted_iota(jnp.int32, (1, 128), 1)
    pvec = jnp.where(lane == 0, box_s,
                     jnp.where(lane == 1, ce_pos,
                               jnp.where(lane == 2, np_f, 0.0)))

    @pl.when(j == 0)
    def _():
        part_ref[0] = pvec

    @pl.when(j > 0)
    def _():
        part_ref[0] += pvec


def _k2a_body(lc_ref, hp_ref, part_ref, veff_ref, meta_ref):
    lane3 = jax.lax.broadcasted_iota(jnp.int32, (B, 1, 128), 2)
    P = part_ref[...]

    hp2 = jnp.reshape(hp_ref[...], (B, A_PAD // 128, 128))
    v = jnp.where(hp2 > 0.0, -0.0, lc_ref[...])
    u = jax.lax.bitcast_convert_type(v, jnp.uint32)
    key = u ^ jnp.uint32(0x80000000)
    np3 = jnp.sum(jnp.where(lane3 == 2, P, 0.0), axis=2,
                  keepdims=True)
    npi3 = np3.astype(jnp.int32)
    k3 = jnp.minimum(NEGPOS_RATIO * npi3, A - npi3)

    prefix = jnp.full((B, 1, 1), 0x80000000, dtype=jnp.uint32)
    for bit in range(30, -1, -1):
        cand = prefix | jnp.uint32(1 << bit)
        ge = (key >= cand).astype(jnp.int32)
        cnt = jnp.sum(ge, axis=(1, 2), keepdims=True)
        prefix = jnp.where(cnt >= k3, cand, prefix)

    u_t = prefix ^ jnp.uint32(0x80000000)
    tv3 = jax.lax.bitcast_convert_type(u_t, jnp.float32)
    veff_ref[...] = v
    meta_ref[...] = jnp.where(lane3 < 16, tv3,
                              jnp.where(lane3 < 32,
                                        k3.astype(jnp.float32), 0.0))


def _sc_tally_body(veff_hbm, meta_hbm, out_hbm, buf, meta_v, out_v):
    w = jax.lax.axis_index("s") * 2 + jax.lax.axis_index("c")

    @pl.when(w < B)
    def _():
        pltpu.sync_copy(veff_hbm.at[w], buf)
        pltpu.sync_copy(meta_hbm.at[w], meta_v)
        tvv = meta_v[pl.ds(0, 16)]
        one_f = jnp.full((16,), 1.0, jnp.float32)
        zero_f = jnp.full((16,), 0.0, jnp.float32)

        def body(i, carry):
            cnt, sm = carry
            v16 = buf[pl.ds(pl.multiple_of(i * 16, 16), 16)]
            m = v16 > tvv
            cnt = cnt + jnp.where(m, one_f, zero_f)
            sm = sm + jnp.where(m, v16, zero_f)
            return cnt, sm

        cnt, sm = jax.lax.fori_loop(
            0, A_PAD // 16, body,
            (jnp.full((16,), 0.0, jnp.float32),
             jnp.full((16,), 0.0, jnp.float32)))
        out_v[pl.ds(0, 16)] = cnt
        out_v[pl.ds(16, 16)] = sm
        pltpu.sync_copy(out_v, out_hbm.at[w])


def _k3_body(part_ref, meta_ref, ce_ref, out_ref):
    P = part_ref[...]
    lane3 = jax.lax.broadcasted_iota(jnp.int32, (B, 1, 128), 2)
    box_tot = jnp.sum(jnp.where(lane3 == 0, P, 0.0))
    cep_tot = jnp.sum(jnp.where(lane3 == 1, P, 0.0))
    np_tot = jnp.sum(jnp.where(lane3 == 2, P, 0.0))

    M = meta_ref[...]
    tvb = jnp.sum(jnp.where(lane3 == 0, M, 0.0), axis=2, keepdims=True)
    kb = jnp.sum(jnp.where(lane3 == 16, M, 0.0), axis=2, keepdims=True)
    T = ce_ref[...]
    laneB = jax.lax.broadcasted_iota(jnp.int32, (B, 32), 1)
    cnt_b = jnp.sum(jnp.where(laneB < 16, T, 0.0), axis=1,
                    keepdims=True)[:, None, :]
    sum_b = jnp.sum(jnp.where(laneB >= 16, T, 0.0), axis=1,
                    keepdims=True)[:, None, :]
    ce_b = sum_b + (kb - cnt_b) * tvb
    ce_b = jnp.where(kb > 0.0, ce_b, 0.0)
    ce_neg_tot = jnp.sum(ce_b)

    lane2 = jax.lax.broadcasted_iota(jnp.int32, (1, 128), 1)
    denom = jnp.maximum(np_tot, 1.0)
    lb = box_tot / denom
    lcl = (cep_tot + ce_neg_tot) / denom
    out_ref[...] = jnp.where(lane2 == 0, lb,
                             jnp.where(lane2 == 1, lcl,
                                       jnp.where(lane2 == 2, lb + lcl, 0.0)))


@jax.jit
def kernel(y_pred_boxes, y_pred_classes, y_true_boxes, priors, y_true_classes):
    ypb_t = y_pred_boxes.transpose(0, 2, 1)
    pr_t = priors.T
    ytc = y_true_classes.astype(jnp.int32).reshape(B, O, 1)

    loss_c, hardpos, partials = pl.pallas_call(
        _k1_body,
        grid=(B, NA),
        in_specs=[
            pl.BlockSpec((1, 4, TA), lambda b, j: (b, 0, j)),
            pl.BlockSpec((1, TA, C), lambda b, j: (b, j, 0)),
            pl.BlockSpec((B, O, 4), lambda b, j: (0, 0, 0)),
            pl.BlockSpec((B, O, 1), lambda b, j: (0, 0, 0)),
            pl.BlockSpec((4, TA), lambda b, j: (0, j)),
        ],
        out_specs=[
            pl.BlockSpec((1, 1, TA // 128, 128), lambda b, j: (b, j, 0, 0)),
            pl.BlockSpec((1, 1, TA), lambda b, j: (b, 0, j)),
            pl.BlockSpec((1, 1, 128), lambda b, j: (b, 0, 0)),
        ],
        out_shape=[
            jax.ShapeDtypeStruct((B, NA, TA // 128, 128), jnp.float32),
            jax.ShapeDtypeStruct((B, 1, A_PAD), jnp.float32),
            jax.ShapeDtypeStruct((B, 1, 128), jnp.float32),
        ],
    )(ypb_t, y_pred_classes, y_true_boxes, ytc, pr_t)

    lc2 = loss_c.reshape(B, A_PAD // 128, 128)

    veff, meta = pl.pallas_call(
        _k2a_body,
        out_shape=[
            jax.ShapeDtypeStruct((B, A_PAD // 128, 128), jnp.float32),
            jax.ShapeDtypeStruct((B, 1, 128), jnp.float32),
        ],
    )(lc2, hardpos, partials)

    ce_sc = pl.kernel(
        _sc_tally_body,
        out_type=jax.ShapeDtypeStruct((B, 32), jnp.float32),
        mesh=plsc.VectorSubcoreMesh(core_axis_name="c",
                                    subcore_axis_name="s"),
        scratch_types=[
            pltpu.VMEM((A_PAD,), jnp.float32),
            pltpu.VMEM((128,), jnp.float32),
            pltpu.VMEM((32,), jnp.float32),
        ],
    )(veff.reshape(B, A_PAD), meta.reshape(B, 128))

    out = pl.pallas_call(
        _k3_body,
        out_shape=jax.ShapeDtypeStruct((1, 128), jnp.float32),
    )(partials, meta, ce_sc)

    return out[0, :3]

# --- scband reference (transcript-rebuilt; emitter-appended) ---
"""Pipeline reference for scband-detection-loss-36945308680642 (READ-ONLY COPY).

The authoritative reference and input builder live on the scoring server;
editing this copy changes nothing except your own understanding.
"""

import jax, jax.numpy as jnp
import numpy as np

B, A, O, C = 16, 20000, 32, 128
NEGPOS_RATIO = 7
OVERLAP = 0.35


def _make_boxes(key, shape):
    u = jax.random.uniform(key, shape, dtype=jnp.float32)
    cxcy = u[..., :2]
    wh = 0.1 + 0.4 * u[..., 2:]
    return jnp.concatenate([cxcy, wh], axis=-1)


def setup_inputs(seed: int = 0) -> dict:
    key = jax.random.key(seed)
    k1, k2, k3, k4, k5 = jax.random.split(key, 5)
    return {
        "y_pred_boxes": jax.random.normal(k1, (B, A, 4), dtype=jnp.float32),
        "y_pred_classes": jax.random.normal(k2, (B, A, C), dtype=jnp.float32),
        "y_true_boxes": _make_boxes(k3, (B, O, 4)),
        "priors": _make_boxes(k4, (A, 4)),
        "y_true_classes": jax.random.randint(k5, (B, O), 1, C),
    }


def _corners(b):
    return jnp.concatenate([b[..., :2] - b[..., 2:] / 2.0, b[..., :2] + b[..., 2:] / 2.0], axis=-1)


def _iou(p, g):
    # p: [A,4] corners, g: [B,O,4] corners -> [B,A,O]
    p = p[None, :, None, :]
    g = g[:, None, :, :]
    lt = jnp.maximum(p[..., :2], g[..., :2])
    rb = jnp.minimum(p[..., 2:], g[..., 2:])
    wh = jnp.clip(rb - lt, 0.0)
    inter = wh[..., 0] * wh[..., 1]
    area_p = (p[..., 2] - p[..., 0]) * (p[..., 3] - p[..., 1])
    area_g = (g[..., 2] - g[..., 0]) * (g[..., 3] - g[..., 1])
    return inter / (area_p + area_g - inter + 1e-9)


def _match(y_pred_classes, y_true_boxes, priors):
    # positives: [B, A, O] bool; negatives: [B, A] bool via SSD hard-negative mining
    iou = _iou(_corners(priors), _corners(y_true_boxes))
    positives = iou > OVERLAP
    has_pos = positives.any(axis=-1)
    num_pos = has_pos.sum(axis=1)
    loss_c = jax.nn.logsumexp(y_pred_classes, axis=-1) - y_pred_classes[..., 0]
    loss_c = jnp.where(has_pos, -jnp.inf, loss_c)
    order = jnp.argsort(-loss_c, axis=1)
    rank = jnp.argsort(order, axis=1)
    num_neg = jnp.minimum(NEGPOS_RATIO * num_pos, A - num_pos)
    negatives = rank < num_neg[:, None]
    return positives, negatives, num_pos


def _encode(gt, pr):
    g_cxcy = (gt[..., :2] - pr[..., :2]) / (pr[..., 2:] * 0.1)
    g_wh = jnp.log(gt[..., 2:] / pr[..., 2:] + 1e-9) / 0.2
    return jnp.concatenate([g_cxcy, g_wh], axis=-1)


def _smooth_l1(x):
    ax = jnp.abs(x)
    return jnp.where(ax < 1.0, 0.5 * x * x, ax - 0.5)


def reference(y_pred_boxes, y_pred_classes, y_true_boxes, priors, y_true_classes):
    positives, negatives, num_pos = _match(y_pred_classes, y_true_boxes, priors)
    denom = jnp.maximum(num_pos.sum(), 1).astype(jnp.float32)
    # boxes subloss (use_negatives=False): masked sum over full [B,A,O] grid
    enc = _encode(y_true_boxes[:, None, :, :], priors[None, :, None, :])
    diff = y_pred_boxes[:, :, None, :] - enc
    loss_boxes = jnp.where(positives[..., None], _smooth_l1(diff), 0.0).sum() / denom
    # classes subloss (use_negatives=True): masked per-anchor cross-entropy
    lse = jax.nn.logsumexp(y_pred_classes, axis=-1)
    bsz, na, no = positives.shape
    tgt = jnp.broadcast_to(y_true_classes[:, None, :], (bsz, na, no))
    conf_t = jnp.take_along_axis(y_pred_classes, tgt, axis=-1)
    ce_pos = jnp.where(positives, lse[:, :, None] - conf_t, 0.0).sum()
    ce_neg = jnp.where(negatives, lse - y_pred_classes[..., 0], 0.0).sum()
    loss_classes = (ce_pos + ce_neg) / denom
    total = loss_boxes + loss_classes
    return jnp.stack([loss_boxes, loss_classes, total])

if __name__ == "__main__":
    import jax
    _d = setup_inputs()
    print(jax.jit(kernel)(*tuple(_d.values())))

</pallas_src>

<mosaic_0001>
#map = affine_map<(d0, d1) -> (0, 0)>
module attributes {stable_mosaic.version = 14 : i64} {
  func.func @_sc_tally_body(%arg0: i32, %arg1: i32, %arg2: memref<16x20480xf32, #tpu.memory_space<hbm>>, %arg3: memref<16x128xf32, #tpu.memory_space<hbm>>, %arg4: memref<16x32xf32, #tpu.memory_space<hbm>>, %arg5: memref<20480xf32, #tpu.memory_space<vmem>>, %arg6: memref<128xf32, #tpu.memory_space<vmem>>, %arg7: memref<32xf32, #tpu.memory_space<vmem>>) attributes {dimension_semantics = [#tpu.dimension_semantics<core_parallel>, #tpu.dimension_semantics<subcore_parallel>], iteration_bounds = array<i64: 2, 16>, scalar_prefetch = 0 : i64, scratch_operands = 3 : i64, tpu.core_type = #tpu.core_type<sc_vector_subcore>, window_params = [{transform_indices = #map}, {transform_indices = #map}, {transform_indices = #map}]} {
    %mul3A = arith.constant 2 : i32
    %mul3A_0 = arith.muli %arg1, %mul3A : i32
    %add3A = arith.addi %mul3A_0, %arg0 : i32
    %lt3A = arith.constant 16 : i32
    %lt3A_1 = arith.cmpi slt, %add3A, %lt3A : i32
    %convert_element_type3A = arith.extui %lt3A_1 : i1 to i32
    %cond3A = arith.constant 0 : i32
    %cond3A_2 = arith.cmpi ne, %convert_element_type3A, %cond3A : i32
    scf.if %cond3A_2 {
      "tpu.region"() ({
        %run_scoped3A = tpu.sem_alloc : memref<!tpu.dma_semaphore, #tpu.memory_space<semaphore_mem>>
        %dma_start3A = arith.constant 0 : i32
        %dma_start3A_24 = tpu.memref_slice %arg2[%add3A, %dma_start3A] : memref<16x20480xf32, #tpu.memory_space<hbm>> -> memref<1x20480xf32, #tpu.memory_space<hbm>>
        %dma_start3A_25 = tpu.memref_squeeze %dma_start3A_24 : memref<1x20480xf32, #tpu.memory_space<hbm>> -> memref<20480xf32, #tpu.memory_space<hbm>>
        %dma_start3A_26 = arith.constant 0 : i32
        %dma_start3A_27 = tpu.memref_slice %arg2[%add3A, %dma_start3A_26] : memref<16x20480xf32, #tpu.memory_space<hbm>> -> memref<1x20480xf32, #tpu.memory_space<hbm>>
        %dma_start3A_28 = tpu.memref_squeeze %dma_start3A_27 : memref<1x20480xf32, #tpu.memory_space<hbm>> -> memref<20480xf32, #tpu.memory_space<hbm>>
        tpu.enqueue_dma source(%dma_start3A_28 : memref<20480xf32, #tpu.memory_space<hbm>>) target(%arg5 : memref<20480xf32, #tpu.memory_space<vmem>>) target_semaphore(%run_scoped3A : memref<!tpu.dma_semaphore, #tpu.memory_space<semaphore_mem>>)
        %dma_wait3A = arith.constant 0 : i32
        %dma_wait3A_29 = tpu.memref_slice %arg2[%add3A, %dma_wait3A] : memref<16x20480xf32, #tpu.memory_space<hbm>> -> memref<1x20480xf32, #tpu.memory_space<hbm>>
        %dma_wait3A_30 = tpu.memref_squeeze %dma_wait3A_29 : memref<1x20480xf32, #tpu.memory_space<hbm>> -> memref<20480xf32, #tpu.memory_space<hbm>>
        %dma_wait3A_31 = arith.constant 0 : i32
        %dma_wait3A_32 = tpu.memref_slice %arg2[%add3A, %dma_wait3A_31] : memref<16x20480xf32, #tpu.memory_space<hbm>> -> memref<1x20480xf32, #tpu.memory_space<hbm>>
        %dma_wait3A_33 = tpu.memref_squeeze %dma_wait3A_32 : memref<1x20480xf32, #tpu.memory_space<hbm>> -> memref<20480xf32, #tpu.memory_space<hbm>>
        tpu.wait_dma2 semaphore(%run_scoped3A : memref<!tpu.dma_semaphore, #tpu.memory_space<semaphore_mem>>) src(%dma_wait3A_33 : memref<20480xf32, #tpu.memory_space<hbm>>) dst(%arg5 : memref<20480xf32, #tpu.memory_space<vmem>>)
        tpu.yield
      }) : () -> ()
      "tpu.region"() ({
        %run_scoped3A = tpu.sem_alloc : memref<!tpu.dma_semaphore, #tpu.memory_space<semaphore_mem>>
        %dma_start3A = arith.constant 0 : i32
        %dma_start3A_24 = tpu.memref_slice %arg3[%add3A, %dma_start3A] : memref<16x128xf32, #tpu.memory_space<hbm>> -> memref<1x128xf32, #tpu.memory_space<hbm>>
        %dma_start3A_25 = tpu.memref_squeeze %dma_start3A_24 : memref<1x128xf32, #tpu.memory_space<hbm>> -> memref<128xf32, #tpu.memory_space<hbm>>
        %dma_start3A_26 = arith.constant 0 : i32
        %dma_start3A_27 = tpu.memref_slice %arg3[%add3A, %dma_start3A_26] : memref<16x128xf32, #tpu.memory_space<hbm>> -> memref<1x128xf32, #tpu.memory_space<hbm>>
        %dma_start3A_28 = tpu.memref_squeeze %dma_start3A_27 : memref<1x128xf32, #tpu.memory_space<hbm>> -> memref<128xf32, #tpu.memory_space<hbm>>
        tpu.enqueue_dma source(%dma_start3A_28 : memref<128xf32, #tpu.memory_space<hbm>>) target(%arg6 : memref<128xf32, #tpu.memory_space<vmem>>) target_semaphore(%run_scoped3A : memref<!tpu.dma_semaphore, #tpu.memory_space<semaphore_mem>>)
        %dma_wait3A = arith.constant 0 : i32
        %dma_wait3A_29 = tpu.memref_slice %arg3[%add3A, %dma_wait3A] : memref<16x128xf32, #tpu.memory_space<hbm>> -> memref<1x128xf32, #tpu.memory_space<hbm>>
        %dma_wait3A_30 = tpu.memref_squeeze %dma_wait3A_29 : memref<1x128xf32, #tpu.memory_space<hbm>> -> memref<128xf32, #tpu.memory_space<hbm>>
        %dma_wait3A_31 = arith.constant 0 : i32
        %dma_wait3A_32 = tpu.memref_slice %arg3[%add3A, %dma_wait3A_31] : memref<16x128xf32, #tpu.memory_space<hbm>> -> memref<1x128xf32, #tpu.memory_space<hbm>>
        %dma_wait3A_33 = tpu.memref_squeeze %dma_wait3A_32 : memref<1x128xf32, #tpu.memory_space<hbm>> -> memref<128xf32, #tpu.memory_space<hbm>>
        tpu.wait_dma2 semaphore(%run_scoped3A : memref<!tpu.dma_semaphore, #tpu.memory_space<semaphore_mem>>) src(%dma_wait3A_33 : memref<128xf32, #tpu.memory_space<hbm>>) dst(%arg6 : memref<128xf32, #tpu.memory_space<vmem>>)
        tpu.yield
      }) : () -> ()
      %get3A = arith.constant 0 : index
      %get3A_3 = tpu.vector_load %arg6[%get3A] {strides = array<i32>} : memref<128xf32, #tpu.memory_space<vmem>>, vector<16xf32>,
      %get3A_4 = vector.shape_cast %get3A_3 : vector<16xf32> to vector<16xf32>
      %broadcast_in_dim3A = arith.constant 1.000000e+00 : f32
      %broadcast_in_dim3A_5 = vector.broadcast %broadcast_in_dim3A : f32 to vector<16xf32>
      %broadcast_in_dim3A_6 = arith.constant 0.000000e+00 : f32
      %broadcast_in_dim3A_7 = vector.broadcast %broadcast_in_dim3A_6 : f32 to vector<16xf32>
      %broadcast_in_dim3A_8 = arith.constant 0.000000e+00 : f32
      %broadcast_in_dim3A_9 = vector.broadcast %broadcast_in_dim3A_8 : f32 to vector<16xf32>
      %broadcast_in_dim3A_10 = arith.constant 0.000000e+00 : f32
      %broadcast_in_dim3A_11 = vector.broadcast %broadcast_in_dim3A_10 : f32 to vector<16xf32>
      %scan3A = arith.constant 0 : i32
      %scan3A_12 = arith.constant 1280 : i32
      %scan3A_13 = arith.addi %scan3A, %scan3A_12 : i32
      %scan3A_14 = arith.constant 1 : i32
      %scan3A_15:2 = scf.for %scan3A_24 = %scan3A to %scan3A_13 step %scan3A_14 iter_args(%scan3A_25 = %broadcast_in_dim3A_9, %scan3A_26 = %broadcast_in_dim3A_11) -> (vector<16xf32>, vector<16xf32>)  : i32 {
        %mul3A_27 = arith.constant 16 : i32
        %mul3A_28 = arith.muli %scan3A_24, %mul3A_27 : i32
        %multiple_of3A = tpu.assume_multiple %mul3A_28, 16 : i32
        %get3A_29 = arith.index_cast %multiple_of3A : i32 to index
        %get3A_30 = tpu.vector_load %arg5[%get3A_29] {strides = array<i32>} : memref<20480xf32, #tpu.memory_space<vmem>>, vector<16xf32>,
        %get3A_31 = vector.shape_cast %get3A_30 : vector<16xf32> to vector<16xf32>
        %gt3A = arith.cmpf ogt, %get3A_31, %get3A_4 : vector<16xf32>
        %select_n3A = arith.select %gt3A, %broadcast_in_dim3A_5, %broadcast_in_dim3A_7 : vector<16xi1>, vector<16xf32>
        %add3A_32 = arith.addf %scan3A_25, %select_n3A : vector<16xf32>
        %select_n3A_33 = arith.select %gt3A, %get3A_31, %broadcast_in_dim3A_7 : vector<16xi1>, vector<16xf32>
        %add3A_34 = arith.addf %scan3A_26, %select_n3A_33 : vector<16xf32>
        scf.yield %add3A_32, %add3A_34 : vector<16xf32>, vector<16xf32>
      }
      %scan3A_16 = arith.constant 1280 : i32
      %swap3A = arith.constant 0 : index
      %swap3A_17 = tpu.vector_load %arg7[%swap3A] {strides = array<i32>} : memref<32xf32, #tpu.memory_space<vmem>>, vector<16xf32>,
      %swap3A_18 = vector.shape_cast %swap3A_17 : vector<16xf32> to vector<16xf32>
      %swap3A_19 = vector.shape_cast %scan3A_15#0 : vector<16xf32> to vector<16xf32>
      tpu.vector_store %arg7[%swap3A], %swap3A_19 {strides = array<i32>} : memref<32xf32, #tpu.memory_space<vmem>>, vector<16xf32>,
      %swap3A_20 = arith.constant 16 : index
      %swap3A_21 = tpu.vector_load %arg7[%swap3A_20] {strides = array<i32>} : memref<32xf32, #tpu.memory_space<vmem>>, vector<16xf32>,
      %swap3A_22 = vector.shape_cast %swap3A_21 : vector<16xf32> to vector<16xf32>
      %swap3A_23 = vector.shape_cast %scan3A_15#1 : vector<16xf32> to vector<16xf32>
      tpu.vector_store %arg7[%swap3A_20], %swap3A_23 {strides = array<i32>} : memref<32xf32, #tpu.memory_space<vmem>>, vector<16xf32>,
      "tpu.region"() ({
        %run_scoped3A = tpu.sem_alloc : memref<!tpu.dma_semaphore, #tpu.memory_space<semaphore_mem>>
        %dma_start3A = arith.constant 0 : i32
        %dma_start3A_24 = tpu.memref_slice %arg4[%add3A, %dma_start3A] : memref<16x32xf32, #tpu.memory_space<hbm>> -> memref<1x32xf32, #tpu.memory_space<hbm>>
        %dma_start3A_25 = tpu.memref_squeeze %dma_start3A_24 : memref<1x32xf32, #tpu.memory_space<hbm>> -> memref<32xf32, #tpu.memory_space<hbm>>
        %dma_start3A_26 = arith.constant 0 : i32
        %dma_start3A_27 = tpu.memref_slice %arg4[%add3A, %dma_start3A_26] : memref<16x32xf32, #tpu.memory_space<hbm>> -> memref<1x32xf32, #tpu.memory_space<hbm>>
        %dma_start3A_28 = tpu.memref_squeeze %dma_start3A_27 : memref<1x32xf32, #tpu.memory_space<hbm>> -> memref<32xf32, #tpu.memory_space<hbm>>
        tpu.enqueue_dma source(%arg7 : memref<32xf32, #tpu.memory_space<vmem>>) target(%dma_start3A_28 : memref<32xf32, #tpu.memory_space<hbm>>) target_semaphore(%run_scoped3A : memref<!tpu.dma_semaphore, #tpu.memory_space<semaphore_mem>>)
        %dma_wait3A = arith.constant 0 : i32
        %dma_wait3A_29 = tpu.memref_slice %arg4[%add3A, %dma_wait3A] : memref<16x32xf32, #tpu.memory_space<hbm>> -> memref<1x32xf32, #tpu.memory_space<hbm>>
        %dma_wait3A_30 = tpu.memref_squeeze %dma_wait3A_29 : memref<1x32xf32, #tpu.memory_space<hbm>> -> memref<32xf32, #tpu.memory_space<hbm>>
        %dma_wait3A_31 = arith.constant 0 : i32
        %dma_wait3A_32 = tpu.memref_slice %arg4[%add3A, %dma_wait3A_31] : memref<16x32xf32, #tpu.memory_space<hbm>> -> memref<1x32xf32, #tpu.memory_space<hbm>>
        %dma_wait3A_33 = tpu.memref_squeeze %dma_wait3A_32 : memref<1x32xf32, #tpu.memory_space<hbm>> -> memref<32xf32, #tpu.memory_space<hbm>>
        tpu.wait_dma2 semaphore(%run_scoped3A : memref<!tpu.dma_semaphore, #tpu.memory_space<semaphore_mem>>) src(%arg7 : memref<32xf32, #tpu.memory_space<vmem>>) dst(%dma_wait3A_33 : memref<32xf32, #tpu.memory_space<hbm>>)
        tpu.yield
      }) : () -> ()
    } else {
    }
    return
  }
}

module attributes {stable_mosaic.version = 14 : i64} {
  func.func @_k1_body(%arg0: i32, %arg1: i32, %arg2: memref<1x4x5120xf32, #tpu.memory_space<vmem>>, %arg3: memref<1x5120x128xf32, #tpu.memory_space<vmem>>, %arg4: memref<16x32x4xf32, #tpu.memory_space<vmem>>, %arg5: memref<16x32x1xi32, #tpu.memory_space<vmem>>, %arg6: memref<4x5120xf32, #tpu.memory_space<vmem>>, %arg7: memref<1x1x40x128xf32, #tpu.memory_space<vmem>>, %arg8: memref<1x1x5120xf32, #tpu.memory_space<vmem>>, %arg9: memref<1x1x128xf32, #tpu.memory_space<vmem>>) attributes {dimension_semantics = [#tpu.dimension_semantics<arbitrary>, #tpu.dimension_semantics<arbitrary>], iteration_bounds = array<i64: 16, 4>, scalar_prefetch = 0 : i64, scratch_operands = 0 : i64, tpu.core_type = #tpu.core_type<tc>, window_params = [{transform_indices = @transform_0, window_bounds = array<i64: 1, 4, 5120>}, {transform_indices = @transform_1, window_bounds = array<i64: 1, 5120, 128>}, {pipeline_mode = #tpu.pipeline_mode<synchronous>, transform_indices = @transform_2, window_bounds = array<i64: 16, 32, 4>}, {pipeline_mode = #tpu.pipeline_mode<synchronous>, transform_indices = @transform_3, window_bounds = array<i64: 16, 32, 1>}, {transform_indices = @transform_4, window_bounds = array<i64: 4, 5120>}, {transform_indices = @transform_5, window_bounds = array<i64: 1, 1, 40, 128>}, {transform_indices = @transform_6, window_bounds = array<i64: 1, 1, 5120>}, {transform_indices = @transform_7, window_bounds = array<i64: 1, 1, 128>}]} {
    %get3A = arith.constant 0 : index
    %get3A_0 = arith.constant 0 : index
    %get3A_1 = arith.constant 0 : index
    %get3A_2 = vector.load %arg3[%get3A, %get3A_0, %get3A_1] : memref<1x5120x128xf32, #tpu.memory_space<vmem>>, vector<1x5120x128xf32>
    %get3A_3 = vector.shape_cast %get3A_2 : vector<1x5120x128xf32> to vector<5120x128xf32>
    %get3A_4 = arith.constant 0 : index
    %get3A_5 = arith.constant 0 : index
    %get3A_6 = arith.constant 0 : index
    %get3A_7 = vector.load %arg2[%get3A_4, %get3A_5, %get3A_6] : memref<1x4x5120xf32, #tpu.memory_space<vmem>>, vector<1x4x5120xf32>
    %get3A_8 = vector.shape_cast %get3A_7 : vector<1x4x5120xf32> to vector<4x5120xf32>
    %get3A_9 = arith.constant 0 : index
    %get3A_10 = arith.constant 0 : index
    %get3A_11 = vector.load %arg6[%get3A_9, %get3A_10] : memref<4x5120xf32, #tpu.memory_space<vmem>>, vector<4x5120xf32>
    %get3A_12 = arith.index_cast %arg0 : i32 to index
    %get3A_13 = arith.constant 0 : index
    %get3A_14 = arith.constant 0 : index
    %get3A_15 = vector.load %arg4[%get3A_12, %get3A_13, %get3A_14] : memref<16x32x4xf32, #tpu.memory_space<vmem>>, vector<1x32x4xf32>
    %get3A_16 = vector.shape_cast %get3A_15 : vector<1x32x4xf32> to vector<32x4xf32>
    %get3A_17 = arith.index_cast %arg0 : i32 to index
    %get3A_18 = arith.constant 0 : index
    %get3A_19 = arith.constant 0 : index
    %get3A_20 = vector.load %arg5[%get3A_17, %get3A_18, %get3A_19] : memref<16x32x1xi32, #tpu.memory_space<vmem>>, vector<1x32x1xi32>
    %get3A_21 = vector.shape_cast %get3A_20 : vector<1x32x1xi32> to vector<32x1xi32>
    %mul3A = arith.constant 5120 : i32
    %mul3A_22 = arith.muli %arg1, %mul3A : i32
    %iota3A = tpu.iota {dimensions = array<i32: 1>} : vector<1x5120xi32>
    %add3A = vector.broadcast %mul3A_22 : i32 to vector<1x5120xi32>
    %add3A_23 = arith.addi %add3A, %iota3A : vector<1x5120xi32>
    %lt3A = arith.constant 20000 : i32
    %lt3A_24 = vector.broadcast %lt3A : i32 to vector<1x5120xi32>
    %lt3A_25 = arith.cmpi slt, %add3A_23, %lt3A_24 : vector<1x5120xi32>
    %eq3A = arith.constant 3 : i32
    %eq3A_26 = arith.cmpi eq, %arg1, %eq3A : i32
    %convert_element_type3A = arith.extui %eq3A_26 : i1 to i32
    %cond3A = arith.constant 0 : i32
    %cond3A_27 = arith.cmpi ne, %convert_element_type3A, %cond3A : i32
    %cond3A_28 = scf.if %cond3A_27 -> (vector<5120x128xf32>) {
      %mul3A_298 = arith.constant 5120 : i32
      %mul3A_299 = arith.muli %arg1, %mul3A_298 : i32
      %iota3A_300 = tpu.iota {dimensions = array<i32: 0>} : vector<5120x1xi32>
      %add3A_301 = vector.broadcast %mul3A_299 : i32 to vector<5120x1xi32>
      %add3A_302 = arith.addi %add3A_301, %iota3A_300 : vector<5120x1xi32>
      %lt3A_303 = arith.constant 20000 : i32
      %lt3A_304 = vector.broadcast %lt3A_303 : i32 to vector<5120x1xi32>
      %lt3A_305 = arith.cmpi slt, %add3A_302, %lt3A_304 : vector<5120x1xi32>
      %jit3A_306 = arith.constant 0.000000e+00 : f32
      %broadcast_in_dim3A_307 = vector.shape_cast %lt3A_305 : vector<5120x1xi1> to vector<5120x1xi1>
      %broadcast_in_dim3A_308 = vector.broadcast %broadcast_in_dim3A_307 : vector<5120x1xi1> to vector<5120x128xi1>
      %broadcast_in_dim3A_309 = vector.broadcast %jit3A_306 : f32 to vector<5120x128xf32>
      %select_n3A_310 = arith.select %broadcast_in_dim3A_308, %get3A_3, %broadcast_in_dim3A_309 : vector<5120x128xi1>, vector<5120x128xf32>
      scf.yield %select_n3A_310 : vector<5120x128xf32>
    } else {
      scf.yield %get3A_3 : vector<5120x128xf32>
    }
    %slice3A = vector.extract_strided_slice %get3A_11 {offsets = [0, 0], sizes = [1, 5120], strides = [1, 1]} : vector<4x5120xf32> to vector<1x5120xf32>
    %slice3A_29 = vector.extract_strided_slice %get3A_11 {offsets = [1, 0], sizes = [1, 5120], strides = [1, 1]} : vector<4x5120xf32> to vector<1x5120xf32>
    %slice3A_30 = vector.extract_strided_slice %get3A_11 {offsets = [2, 0], sizes = [1, 5120], strides = [1, 1]} : vector<4x5120xf32> to vector<1x5120xf32>
    %slice3A_31 = vector.extract_strided_slice %get3A_11 {offsets = [3, 0], sizes = [1, 5120], strides = [1, 1]} : vector<4x5120xf32> to vector<1x5120xf32>
    %slice3A_32 = vector.extract_strided_slice %get3A_8 {offsets = [0, 0], sizes = [1, 5120], strides = [1, 1]} : vector<4x5120xf32> to vector<1x5120xf32>
    %slice3A_33 = vector.extract_strided_slice %get3A_8 {offsets = [1, 0], sizes = [1, 5120], strides = [1, 1]} : vector<4x5120xf32> to vector<1x5120xf32>
    %slice3A_34 = vector.extract_strided_slice %get3A_8 {offsets = [2, 0], sizes = [1, 5120], strides = [1, 1]} : vector<4x5120xf32> to vector<1x5120xf32>
    %slice3A_35 = vector.extract_strided_slice %get3A_8 {offsets = [3, 0], sizes = [1, 5120], strides = [1, 1]} : vector<4x5120xf32> to vector<1x5120xf32>
    %mul3A_36 = arith.constant 5.000000e-01 : f32
    %mul3A_37 = vector.broadcast %mul3A_36 : f32 to vector<1x5120xf32>
    %mul3A_38 = arith.mulf %slice3A_30, %mul3A_37 : vector<1x5120xf32>
    %sub3A = arith.subf %slice3A, %mul3A_38 : vector<1x5120xf32>
    %mul3A_39 = arith.constant 5.000000e-01 : f32
    %mul3A_40 = vector.broadcast %mul3A_39 : f32 to vector<1x5120xf32>
    %mul3A_41 = arith.mulf %slice3A_30, %mul3A_40 : vector<1x5120xf32>
    %add3A_42 = arith.addf %slice3A, %mul3A_41 : vector<1x5120xf32>
    %mul3A_43 = arith.constant 5.000000e-01 : f32
    %mul3A_44 = vector.broadcast %mul3A_43 : f32 to vector<1x5120xf32>
    %mul3A_45 = arith.mulf %slice3A_31, %mul3A_44 : vector<1x5120xf32>
    %sub3A_46 = arith.subf %slice3A_29, %mul3A_45 : vector<1x5120xf32>
    %mul3A_47 = arith.constant 5.000000e-01 : f32
    %mul3A_48 = vector.broadcast %mul3A_47 : f32 to vector<1x5120xf32>
    %mul3A_49 = arith.mulf %slice3A_31, %mul3A_48 : vector<1x5120xf32>
    %add3A_50 = arith.addf %slice3A_29, %mul3A_49 : vector<1x5120xf32>
    %mul3A_51 = arith.mulf %slice3A_30, %slice3A_31 : vector<1x5120xf32>
    %mul3A_52 = arith.constant 1.000000e-01 : f32
    %mul3A_53 = vector.broadcast %mul3A_52 : f32 to vector<1x5120xf32>
    %mul3A_54 = arith.mulf %slice3A_30, %mul3A_53 : vector<1x5120xf32>
    %div3A = arith.constant 1.000000e+00 : f32
    %div3A_55 = vector.broadcast %div3A : f32 to vector<1x5120xf32>
    %div3A_56 = arith.divf %div3A_55, %mul3A_54 : vector<1x5120xf32>
    %mul3A_57 = arith.constant 1.000000e-01 : f32
    %mul3A_58 = vector.broadcast %mul3A_57 : f32 to vector<1x5120xf32>
    %mul3A_59 = arith.mulf %slice3A_31, %mul3A_58 : vector<1x5120xf32>
    %div3A_60 = arith.constant 1.000000e+00 : f32
    %div3A_61 = vector.broadcast %div3A_60 : f32 to vector<1x5120xf32>
    %div3A_62 = arith.divf %div3A_61, %mul3A_59 : vector<1x5120xf32>
    %log3A = math.log %slice3A_30 : vector<1x5120xf32>
    %log3A_63 = math.log %slice3A_31 : vector<1x5120xf32>
    %slice3A_64 = vector.extract_strided_slice %get3A_16 {offsets = [0, 0], sizes = [32, 1], strides = [1, 1]} : vector<32x4xf32> to vector<32x1xf32>
    %slice3A_65 = vector.extract_strided_slice %get3A_16 {offsets = [0, 1], sizes = [32, 1], strides = [1, 1]} : vector<32x4xf32> to vector<32x1xf32>
    %slice3A_66 = vector.extract_strided_slice %get3A_16 {offsets = [0, 2], sizes = [32, 1], strides = [1, 1]} : vector<32x4xf32> to vector<32x1xf32>
    %slice3A_67 = vector.extract_strided_slice %get3A_16 {offsets = [0, 3], sizes = [32, 1], strides = [1, 1]} : vector<32x4xf32> to vector<32x1xf32>
    %mul3A_68 = arith.constant 5.000000e-01 : f32
    %mul3A_69 = vector.broadcast %mul3A_68 : f32 to vector<32x1xf32>
    %mul3A_70 = arith.mulf %slice3A_66, %mul3A_69 : vector<32x1xf32>
    %sub3A_71 = arith.subf %slice3A_64, %mul3A_70 : vector<32x1xf32>
    %mul3A_72 = arith.constant 5.000000e-01 : f32
    %mul3A_73 = vector.broadcast %mul3A_72 : f32 to vector<32x1xf32>
    %mul3A_74 = arith.mulf %slice3A_66, %mul3A_73 : vector<32x1xf32>
    %add3A_75 = arith.addf %slice3A_64, %mul3A_74 : vector<32x1xf32>
    %mul3A_76 = arith.constant 5.000000e-01 : f32
    %mul3A_77 = vector.broadcast %mul3A_76 : f32 to vector<32x1xf32>
    %mul3A_78 = arith.mulf %slice3A_67, %mul3A_77 : vector<32x1xf32>
    %sub3A_79 = arith.subf %slice3A_65, %mul3A_78 : vector<32x1xf32>
    %mul3A_80 = arith.constant 5.000000e-01 : f32
    %mul3A_81 = vector.broadcast %mul3A_80 : f32 to vector<32x1xf32>
    %mul3A_82 = arith.mulf %slice3A_67, %mul3A_81 : vector<32x1xf32>
    %add3A_83 = arith.addf %slice3A_65, %mul3A_82 : vector<32x1xf32>
    %mul3A_84 = arith.mulf %slice3A_66, %slice3A_67 : vector<32x1xf32>
    %log3A_85 = math.log %slice3A_66 : vector<32x1xf32>
    %log3A_86 = math.log %slice3A_67 : vector<32x1xf32>
    %add3A_87 = arith.constant 9.99999971E-10 : f32
    %add3A_88 = vector.broadcast %add3A_87 : f32 to vector<1x5120xf32>
    %add3A_89 = arith.addf %mul3A_51, %add3A_88 : vector<1x5120xf32>
    %mul3A_90 = arith.constant 3.500000e-01 : f32
    %mul3A_91 = vector.broadcast %mul3A_90 : f32 to vector<1x5120xf32>
    %mul3A_92 = arith.mulf %mul3A_91, %add3A_89 : vector<1x5120xf32>
    %mul3A_93 = arith.constant 3.500000e-01 : f32
    %mul3A_94 = vector.broadcast %mul3A_93 : f32 to vector<32x1xf32>
    %mul3A_95 = arith.mulf %mul3A_94, %mul3A_84 : vector<32x1xf32>
    %min3A = vector.broadcast %add3A_42 : vector<1x5120xf32> to vector<32x5120xf32>
    %min3A_96 = vector.broadcast %add3A_75 : vector<32x1xf32> to vector<32x5120xf32>
    %min3A_97 = arith.minimumf %min3A, %min3A_96 : vector<32x5120xf32>
    %max3A = vector.broadcast %sub3A : vector<1x5120xf32> to vector<32x5120xf32>
    %max3A_98 = vector.broadcast %sub3A_71 : vector<32x1xf32> to vector<32x5120xf32>
    %max3A_99 = arith.maximumf %max3A, %max3A_98 : vector<32x5120xf32>
    %sub3A_100 = arith.subf %min3A_97, %max3A_99 : vector<32x5120xf32>
    %max3A_101 = arith.constant 0.000000e+00 : f32
    %max3A_102 = vector.broadcast %max3A_101 : f32 to vector<32x5120xf32>
    %max3A_103 = arith.maximumf %sub3A_100, %max3A_102 : vector<32x5120xf32>
    %min3A_104 = vector.broadcast %add3A_50 : vector<1x5120xf32> to vector<32x5120xf32>
    %min3A_105 = vector.broadcast %add3A_83 : vector<32x1xf32> to vector<32x5120xf32>
    %min3A_106 = arith.minimumf %min3A_104, %min3A_105 : vector<32x5120xf32>
    %max3A_107 = vector.broadcast %sub3A_46 : vector<1x5120xf32> to vector<32x5120xf32>
    %max3A_108 = vector.broadcast %sub3A_79 : vector<32x1xf32> to vector<32x5120xf32>
    %max3A_109 = arith.maximumf %max3A_107, %max3A_108 : vector<32x5120xf32>
    %sub3A_110 = arith.subf %min3A_106, %max3A_109 : vector<32x5120xf32>
    %max3A_111 = arith.constant 0.000000e+00 : f32
    %max3A_112 = vector.broadcast %max3A_111 : f32 to vector<32x5120xf32>
    %max3A_113 = arith.maximumf %sub3A_110, %max3A_112 : vector<32x5120xf32>
    %mul3A_114 = arith.mulf %max3A_103, %max3A_113 : vector<32x5120xf32>
    %mul3A_115 = arith.constant 1.350000e+00 : f32
    %mul3A_116 = vector.broadcast %mul3A_115 : f32 to vector<32x5120xf32>
    %mul3A_117 = arith.mulf %mul3A_116, %mul3A_114 : vector<32x5120xf32>
    %add3A_118 = vector.broadcast %mul3A_92 : vector<1x5120xf32> to vector<32x5120xf32>
    %add3A_119 = vector.broadcast %mul3A_95 : vector<32x1xf32> to vector<32x5120xf32>
    %add3A_120 = arith.addf %add3A_118, %add3A_119 : vector<32x5120xf32>
    %gt3A = arith.cmpf ogt, %mul3A_117, %add3A_120 : vector<32x5120xf32>
    %and3A = vector.broadcast %lt3A_25 : vector<1x5120xi1> to vector<32x5120xi1>
    %and3A_121 = arith.andi %gt3A, %and3A : vector<32x5120xi1>
    %convert_element_type3A_122 = arith.extui %and3A_121 : vector<32x5120xi1> to vector<32x5120xi32>
    %convert_element_type3A_123 = arith.sitofp %convert_element_type3A_122 : vector<32x5120xi32> to vector<32x5120xf32>
    %broadcast_in_dim3A = arith.constant 1.000000e+00 : f32
    %broadcast_in_dim3A_124 = vector.broadcast %broadcast_in_dim3A : f32 to vector<1x32xf32>
    %dot_general3A = arith.constant dense<0.000000e+00> : vector<1x5120xf32>
    %dot_general3A_125 = tpu.matmul %broadcast_in_dim3A_124, %convert_element_type3A_123, %dot_general3A {dimension_numbers = #tpu.dot_dimension_numbers<[1], [0], [0], [1], [0, 0, 1, 1], [], []>, transpose_lhs_hint = false} : vector<1x32xf32>, vector<32x5120xf32>, vector<1x5120xf32> -> vector<1x5120xf32>
    %gt3A_126 = arith.constant 0.000000e+00 : f32
    %gt3A_127 = vector.broadcast %gt3A_126 : f32 to vector<1x5120xf32>
    %gt3A_128 = arith.cmpf ogt, %dot_general3A_125, %gt3A_127 : vector<1x5120xf32>
    %convert_element_type3A_129 = arith.extui %gt3A_128 : vector<1x5120xi1> to vector<1x5120xi32>
    %convert_element_type3A_130 = arith.sitofp %convert_element_type3A_129 : vector<1x5120xi32> to vector<1x5120xf32>
    %reduce_sum3A = vector.shape_cast %convert_element_type3A_130 : vector<1x5120xf32> to vector<1x1x5120xf32>
    %reduce_sum3A_131 = arith.constant dense<0.000000e+00> : vector<1xf32>
    %reduce_sum3A_132 = vector.multi_reduction <add>, %reduce_sum3A, %reduce_sum3A_131 [1, 2] : vector<1x1x5120xf32> to vector<1xf32>
    %reduce_sum3A_133 = vector.shape_cast %reduce_sum3A_132 : vector<1xf32> to vector<1x1x1xf32>
    %reduce_sum3A_134 = vector.extract %reduce_sum3A_133[0, 0, 0] : f32 from vector<1x1x1xf32>
    %not3A = arith.constant dense<true> : vector<1x5120xi1>
    %not3A_135 = arith.xori %lt3A_25, %not3A : vector<1x5120xi1>
    %or3A = arith.ori %gt3A_128, %not3A_135 : vector<1x5120xi1>
    %jit3A = arith.constant 1.000000e+00 : f32
    %jit3A_136 = arith.constant 0.000000e+00 : f32
    %broadcast_in_dim3A_137 = vector.broadcast %jit3A : f32 to vector<1x5120xf32>
    %broadcast_in_dim3A_138 = vector.broadcast %jit3A_136 : f32 to vector<1x5120xf32>
    %select_n3A = arith.select %or3A, %broadcast_in_dim3A_137, %broadcast_in_dim3A_138 : vector<1x5120xi1>, vector<1x5120xf32>
    %swap3A = arith.constant 0 : index
    %swap3A_139 = arith.constant 0 : index
    %swap3A_140 = arith.constant 0 : index
    %swap3A_141 = vector.load %arg8[%swap3A, %swap3A_139, %swap3A_140] : memref<1x1x5120xf32, #tpu.memory_space<vmem>>, vector<1x1x5120xf32>
    %swap3A_142 = vector.shape_cast %swap3A_141 : vector<1x1x5120xf32> to vector<1x5120xf32>
    %swap3A_143 = vector.shape_cast %select_n3A : vector<1x5120xf32> to vector<1x1x5120xf32>
    tpu.vector_store %arg8[%swap3A, %swap3A_139, %swap3A_140], %swap3A_143 {strides = array<i32>} : memref<1x1x5120xf32, #tpu.memory_space<vmem>>, vector<1x1x5120xf32>,
    %exp3A = math.exp %cond3A_28 : vector<5120x128xf32>
    %broadcast_in_dim3A_144 = arith.constant 1.000000e+00 : f32
    %broadcast_in_dim3A_145 = vector.broadcast %broadcast_in_dim3A_144 : f32 to vector<128x1xf32>
    %iota3A_146 = tpu.iota {dimensions = array<i32: 0>} : vector<128x1xi32>
    %eq3A_147 = arith.constant 0 : i32
    %eq3A_148 = vector.broadcast %eq3A_147 : i32 to vector<128x1xi32>
    %eq3A_149 = arith.cmpi eq, %iota3A_146, %eq3A_148 : vector<128x1xi32>
    %jit3A_150 = arith.constant 1.000000e+00 : f32
    %jit3A_151 = arith.constant 0.000000e+00 : f32
    %broadcast_in_dim3A_152 = vector.broadcast %jit3A_150 : f32 to vector<128x1xf32>
    %broadcast_in_dim3A_153 = vector.broadcast %jit3A_151 : f32 to vector<128x1xf32>
    %select_n3A_154 = arith.select %eq3A_149, %broadcast_in_dim3A_152, %broadcast_in_dim3A_153 : vector<128x1xi1>, vector<128x1xf32>
    %dot_general3A_155 = arith.constant dense<0.000000e+00> : vector<5120x1xf32>
    %dot_general3A_156 = tpu.matmul %exp3A, %broadcast_in_dim3A_145, %dot_general3A_155 {dimension_numbers = #tpu.dot_dimension_numbers<[1], [0], [0], [1], [0, 0, 1, 1], [], []>, transpose_lhs_hint = false} : vector<5120x128xf32>, vector<128x1xf32>, vector<5120x1xf32> -> vector<5120x1xf32>
    %dot_general3A_157 = arith.constant dense<0.000000e+00> : vector<5120x1xf32>
    %dot_general3A_158 = tpu.matmul %exp3A, %select_n3A_154, %dot_general3A_157 {dimension_numbers = #tpu.dot_dimension_numbers<[1], [0], [0], [1], [0, 0, 1, 1], [], []>, transpose_lhs_hint = false} : vector<5120x128xf32>, vector<128x1xf32>, vector<5120x1xf32> -> vector<5120x1xf32>
    %log3A_159 = math.log %dot_general3A_156 : vector<5120x1xf32>
    %log3A_160 = math.log %dot_general3A_158 : vector<5120x1xf32>
    %sub3A_161 = arith.subf %log3A_159, %log3A_160 : vector<5120x1xf32>
    %reshape3A = vector.shape_cast %sub3A_161 : vector<5120x1xf32> to vector<40x128xf32>
    %swap3A_162 = arith.constant 0 : index
    %swap3A_163 = arith.constant 0 : index
    %swap3A_164 = arith.constant 0 : index
    %swap3A_165 = arith.constant 0 : index
    %swap3A_166 = vector.load %arg7[%swap3A_162, %swap3A_163, %swap3A_164, %swap3A_165] : memref<1x1x40x128xf32, #tpu.memory_space<vmem>>, vector<1x1x40x128xf32>
    %swap3A_167 = vector.shape_cast %swap3A_166 : vector<1x1x40x128xf32> to vector<40x128xf32>
    %swap3A_168 = vector.shape_cast %reshape3A : vector<40x128xf32> to vector<1x1x40x128xf32>
    tpu.vector_store %arg7[%swap3A_162, %swap3A_163, %swap3A_164, %swap3A_165], %swap3A_168 {strides = array<i32>} : memref<1x1x40x128xf32, #tpu.memory_space<vmem>>, vector<1x1x40x128xf32>,
    %dot_general3A_169 = arith.constant dense<0.000000e+00> : vector<32x128xf32>
    %dot_general3A_170 = tpu.matmul %convert_element_type3A_123, %cond3A_28, %dot_general3A_169 {dimension_numbers = #tpu.dot_dimension_numbers<[1], [0], [0], [1], [0, 0, 1, 1], [], []>, transpose_lhs_hint = false} : vector<32x5120xf32>, vector<5120x128xf32>, vector<32x128xf32> -> vector<32x128xf32>
    %iota3A_171 = tpu.iota {dimensions = array<i32: 1>} : vector<32x128xi32>
    %eq3A_172 = vector.broadcast %get3A_21 : vector<32x1xi32> to vector<32x128xi32>
    %eq3A_173 = arith.cmpi eq, %iota3A_171, %eq3A_172 : vector<32x128xi32>
    %jit3A_174 = arith.constant 0.000000e+00 : f32
    %broadcast_in_dim3A_175 = vector.broadcast %jit3A_174 : f32 to vector<32x128xf32>
    %select_n3A_176 = arith.select %eq3A_173, %dot_general3A_170, %broadcast_in_dim3A_175 : vector<32x128xi1>, vector<32x128xf32>
    %reduce_sum3A_177 = vector.shape_cast %select_n3A_176 : vector<32x128xf32> to vector<1x32x128xf32>
    %reduce_sum3A_178 = arith.constant dense<0.000000e+00> : vector<1xf32>
    %reduce_sum3A_179 = vector.multi_reduction <add>, %reduce_sum3A_177, %reduce_sum3A_178 [1, 2] : vector<1x32x128xf32> to vector<1xf32>
    %reduce_sum3A_180 = vector.shape_cast %reduce_sum3A_179 : vector<1xf32> to vector<1x1x1xf32>
    %reduce_sum3A_181 = vector.extract %reduce_sum3A_180[0, 0, 0] : f32 from vector<1x1x1xf32>
    %dot_general3A_182 = arith.constant dense<0.000000e+00> : vector<32x1xf32>
    %dot_general3A_183 = tpu.matmul %convert_element_type3A_123, %log3A_159, %dot_general3A_182 {dimension_numbers = #tpu.dot_dimension_numbers<[1], [0], [0], [1], [0, 0, 1, 1], [], []>, transpose_lhs_hint = false} : vector<32x5120xf32>, vector<5120x1xf32>, vector<32x1xf32> -> vector<32x1xf32>
    %reduce_sum3A_184 = vector.shape_cast %dot_general3A_183 : vector<32x1xf32> to vector<1x32x1xf32>
    %reduce_sum3A_185 = arith.constant dense<0.000000e+00> : vector<1xf32>
    %reduce_sum3A_186 = vector.multi_reduction <add>, %reduce_sum3A_184, %reduce_sum3A_185 [1, 2] : vector<1x32x1xf32> to vector<1xf32>
    %reduce_sum3A_187 = vector.shape_cast %reduce_sum3A_186 : vector<1xf32> to vector<1x1x1xf32>
    %reduce_sum3A_188 = vector.extract %reduce_sum3A_187[0, 0, 0] : f32 from vector<1x1x1xf32>
    %sub3A_189 = arith.subf %reduce_sum3A_188, %reduce_sum3A_181 : f32
    %mul3A_190 = arith.mulf %slice3A, %div3A_56 : vector<1x5120xf32>
    %add3A_191 = arith.addf %slice3A_32, %mul3A_190 : vector<1x5120xf32>
    %mul3A_192 = arith.mulf %slice3A_29, %div3A_62 : vector<1x5120xf32>
    %add3A_193 = arith.addf %slice3A_33, %mul3A_192 : vector<1x5120xf32>
    %mul3A_194 = arith.constant 5.000000e+00 : f32
    %mul3A_195 = vector.broadcast %mul3A_194 : f32 to vector<1x5120xf32>
    %mul3A_196 = arith.mulf %mul3A_195, %log3A : vector<1x5120xf32>
    %add3A_197 = arith.addf %slice3A_34, %mul3A_196 : vector<1x5120xf32>
    %mul3A_198 = arith.constant 5.000000e+00 : f32
    %mul3A_199 = vector.broadcast %mul3A_198 : f32 to vector<1x5120xf32>
    %mul3A_200 = arith.mulf %mul3A_199, %log3A_63 : vector<1x5120xf32>
    %add3A_201 = arith.addf %slice3A_35, %mul3A_200 : vector<1x5120xf32>
    %mul3A_202 = arith.constant 5.000000e+00 : f32
    %mul3A_203 = vector.broadcast %mul3A_202 : f32 to vector<32x1xf32>
    %mul3A_204 = arith.mulf %mul3A_203, %log3A_85 : vector<32x1xf32>
    %mul3A_205 = arith.constant 5.000000e+00 : f32
    %mul3A_206 = vector.broadcast %mul3A_205 : f32 to vector<32x1xf32>
    %mul3A_207 = arith.mulf %mul3A_206, %log3A_86 : vector<32x1xf32>
    %mul3A_208 = vector.broadcast %slice3A_64 : vector<32x1xf32> to vector<32x5120xf32>
    %mul3A_209 = vector.broadcast %div3A_56 : vector<1x5120xf32> to vector<32x5120xf32>
    %mul3A_210 = arith.mulf %mul3A_208, %mul3A_209 : vector<32x5120xf32>
    %sub3A_211 = vector.broadcast %add3A_191 : vector<1x5120xf32> to vector<32x5120xf32>
    %sub3A_212 = arith.subf %sub3A_211, %mul3A_210 : vector<32x5120xf32>
    %mul3A_213 = vector.broadcast %slice3A_65 : vector<32x1xf32> to vector<32x5120xf32>
    %mul3A_214 = vector.broadcast %div3A_62 : vector<1x5120xf32> to vector<32x5120xf32>
    %mul3A_215 = arith.mulf %mul3A_213, %mul3A_214 : vector<32x5120xf32>
    %sub3A_216 = vector.broadcast %add3A_193 : vector<1x5120xf32> to vector<32x5120xf32>
    %sub3A_217 = arith.subf %sub3A_216, %mul3A_215 : vector<32x5120xf32>
    %sub3A_218 = vector.broadcast %add3A_197 : vector<1x5120xf32> to vector<32x5120xf32>
    %sub3A_219 = vector.broadcast %mul3A_204 : vector<32x1xf32> to vector<32x5120xf32>
    %sub3A_220 = arith.subf %sub3A_218, %sub3A_219 : vector<32x5120xf32>
    %sub3A_221 = vector.broadcast %add3A_201 : vector<1x5120xf32> to vector<32x5120xf32>
    %sub3A_222 = vector.broadcast %mul3A_207 : vector<32x1xf32> to vector<32x5120xf32>
    %sub3A_223 = arith.subf %sub3A_221, %sub3A_222 : vector<32x5120xf32>
    %abs3A = math.absf %sub3A_212 : vector<32x5120xf32>
    %min3A_224 = arith.constant 1.000000e+00 : f32
    %min3A_225 = vector.broadcast %min3A_224 : f32 to vector<32x5120xf32>
    %min3A_226 = arith.minimumf %abs3A, %min3A_225 : vector<32x5120xf32>
    %mul3A_227 = arith.constant 5.000000e-01 : f32
    %mul3A_228 = vector.broadcast %mul3A_227 : f32 to vector<32x5120xf32>
    %mul3A_229 = arith.mulf %mul3A_228, %min3A_226 : vector<32x5120xf32>
    %sub3A_230 = arith.subf %abs3A, %mul3A_229 : vector<32x5120xf32>
    %mul3A_231 = arith.mulf %min3A_226, %sub3A_230 : vector<32x5120xf32>
    %abs3A_232 = math.absf %sub3A_217 : vector<32x5120xf32>
    %min3A_233 = arith.constant 1.000000e+00 : f32
    %min3A_234 = vector.broadcast %min3A_233 : f32 to vector<32x5120xf32>
    %min3A_235 = arith.minimumf %abs3A_232, %min3A_234 : vector<32x5120xf32>
    %mul3A_236 = arith.constant 5.000000e-01 : f32
    %mul3A_237 = vector.broadcast %mul3A_236 : f32 to vector<32x5120xf32>
    %mul3A_238 = arith.mulf %mul3A_237, %min3A_235 : vector<32x5120xf32>
    %sub3A_239 = arith.subf %abs3A_232, %mul3A_238 : vector<32x5120xf32>
    %mul3A_240 = arith.mulf %min3A_235, %sub3A_239 : vector<32x5120xf32>
    %add3A_241 = arith.addf %mul3A_231, %mul3A_240 : vector<32x5120xf32>
    %abs3A_242 = math.absf %sub3A_220 : vector<32x5120xf32>
    %min3A_243 = arith.constant 1.000000e+00 : f32
    %min3A_244 = vector.broadcast %min3A_243 : f32 to vector<32x5120xf32>
    %min3A_245 = arith.minimumf %abs3A_242, %min3A_244 : vector<32x5120xf32>
    %mul3A_246 = arith.constant 5.000000e-01 : f32
    %mul3A_247 = vector.broadcast %mul3A_246 : f32 to vector<32x5120xf32>
    %mul3A_248 = arith.mulf %mul3A_247, %min3A_245 : vector<32x5120xf32>
    %sub3A_249 = arith.subf %abs3A_242, %mul3A_248 : vector<32x5120xf32>
    %mul3A_250 = arith.mulf %min3A_245, %sub3A_249 : vector<32x5120xf32>
    %add3A_251 = arith.addf %add3A_241, %mul3A_250 : vector<32x5120xf32>
    %abs3A_252 = math.absf %sub3A_223 : vector<32x5120xf32>
    %min3A_253 = arith.constant 1.000000e+00 : f32
    %min3A_254 = vector.broadcast %min3A_253 : f32 to vector<32x5120xf32>
    %min3A_255 = arith.minimumf %abs3A_252, %min3A_254 : vector<32x5120xf32>
    %mul3A_256 = arith.constant 5.000000e-01 : f32
    %mul3A_257 = vector.broadcast %mul3A_256 : f32 to vector<32x5120xf32>
    %mul3A_258 = arith.mulf %mul3A_257, %min3A_255 : vector<32x5120xf32>
    %sub3A_259 = arith.subf %abs3A_252, %mul3A_258 : vector<32x5120xf32>
    %mul3A_260 = arith.mulf %min3A_255, %sub3A_259 : vector<32x5120xf32>
    %add3A_261 = arith.addf %add3A_251, %mul3A_260 : vector<32x5120xf32>
    %jit3A_262 = arith.constant 0.000000e+00 : f32
    %broadcast_in_dim3A_263 = vector.broadcast %jit3A_262 : f32 to vector<32x5120xf32>
    %select_n3A_264 = arith.select %and3A_121, %add3A_261, %broadcast_in_dim3A_263 : vector<32x5120xi1>, vector<32x5120xf32>
    %reduce_sum3A_265 = vector.shape_cast %select_n3A_264 : vector<32x5120xf32> to vector<1x32x5120xf32>
    %reduce_sum3A_266 = arith.constant dense<0.000000e+00> : vector<1xf32>
    %reduce_sum3A_267 = vector.multi_reduction <add>, %reduce_sum3A_265, %reduce_sum3A_266 [1, 2] : vector<1x32x5120xf32> to vector<1xf32>
    %reduce_sum3A_268 = vector.shape_cast %reduce_sum3A_267 : vector<1xf32> to vector<1x1x1xf32>
    %reduce_sum3A_269 = vector.extract %reduce_sum3A_268[0, 0, 0] : f32 from vector<1x1x1xf32>
    %iota3A_270 = tpu.iota {dimensions = array<i32: 1>} : vector<1x128xi32>
    %eq3A_271 = arith.constant 0 : i32
    %eq3A_272 = vector.broadcast %eq3A_271 : i32 to vector<1x128xi32>
    %eq3A_273 = arith.cmpi eq, %iota3A_270, %eq3A_272 : vector<1x128xi32>
    %eq3A_274 = arith.constant 1 : i32
    %eq3A_275 = vector.broadcast %eq3A_274 : i32 to vector<1x128xi32>
    %eq3A_276 = arith.cmpi eq, %iota3A_270, %eq3A_275 : vector<1x128xi32>
    %eq3A_277 = arith.constant 2 : i32
    %eq3A_278 = vector.broadcast %eq3A_277 : i32 to vector<1x128xi32>
    %eq3A_279 = arith.cmpi eq, %iota3A_270, %eq3A_278 : vector<1x128xi32>
    %jit3A_280 = arith.constant 0.000000e+00 : f32
    %broadcast_in_dim3A_281 = vector.broadcast %reduce_sum3A_134 : f32 to vector<1x128xf32>
    %broadcast_in_dim3A_282 = vector.broadcast %jit3A_280 : f32 to vector<1x128xf32>
    %select_n3A_283 = arith.select %eq3A_279, %broadcast_in_dim3A_281, %broadcast_in_dim3A_282 : vector<1x128xi1>, vector<1x128xf32>
    %broadcast_in_dim3A_284 = vector.broadcast %sub3A_189 : f32 to vector<1x128xf32>
    %select_n3A_285 = arith.select %eq3A_276, %broadcast_in_dim3A_284, %select_n3A_283 : vector<1x128xi1>, vector<1x128xf32>
    %broadcast_in_dim3A_286 = vector.broadcast %reduce_sum3A_269 : f32 to vector<1x128xf32>
    %select_n3A_287 = arith.select %eq3A_273, %broadcast_in_dim3A_286, %select_n3A_285 : vector<1x128xi1>, vector<1x128xf32>
    %eq3A_288 = arith.constant 0 : i32
    %eq3A_289 = arith.cmpi eq, %arg1, %eq3A_288 : i32
    %convert_element_type3A_290 = arith.extui %eq3A_289 : i1 to i32
    %cond3A_291 = arith.constant 0 : i32
    %cond3A_292 = arith.cmpi ne, %convert_element_type3A_290, %cond3A_291 : i32
    scf.if %cond3A_292 {
      %swap3A_298 = arith.constant 0 : index
      %swap3A_299 = arith.constant 0 : index
      %swap3A_300 = arith.constant 0 : index
      %swap3A_301 = vector.load %arg9[%swap3A_298, %swap3A_299, %swap3A_300] : memref<1x1x128xf32, #tpu.memory_space<vmem>>, vector<1x1x128xf32>
      %swap3A_302 = vector.shape_cast %swap3A_301 : vector<1x1x128xf32> to vector<1x128xf32>
      %swap3A_303 = vector.shape_cast %select_n3A_287 : vector<1x128xf32> to vector<1x1x128xf32>
      tpu.vector_store %arg9[%swap3A_298, %swap3A_299, %swap3A_300], %swap3A_303 {strides = array<i32>} : memref<1x1x128xf32, #tpu.memory_space<vmem>>, vector<1x1x128xf32>,
    } else {
    }
    %gt3A_293 = arith.constant 0 : i32
    %gt3A_294 = arith.cmpi sgt, %arg1, %gt3A_293 : i32
    %convert_element_type3A_295 = arith.extui %gt3A_294 : i1 to i32
    %cond3A_296 = arith.constant 0 : i32
    %cond3A_297 = arith.cmpi ne, %convert_element_type3A_295, %cond3A_296 : i32
    scf.if %cond3A_297 {
      %get3A_298 = arith.constant 0 : index
      %get3A_299 = arith.constant 0 : index
      %get3A_300 = arith.constant 0 : index
      %get3A_301 = vector.load %arg9[%get3A_298, %get3A_299, %get3A_300] : memref<1x1x128xf32, #tpu.memory_space<vmem>>, vector<1x1x128xf32>
      %get3A_302 = vector.shape_cast %get3A_301 : vector<1x1x128xf32> to vector<1x128xf32>
      %add3A_303 = arith.addf %get3A_302, %select_n3A_287 : vector<1x128xf32>
      %swap3A_304 = arith.constant 0 : index
      %swap3A_305 = arith.constant 0 : index
      %swap3A_306 = arith.constant 0 : index
      %swap3A_307 = vector.load %arg9[%swap3A_304, %swap3A_305, %swap3A_306] : memref<1x1x128xf32, #tpu.memory_space<vmem>>, vector<1x1x128xf32>
      %swap3A_308 = vector.shape_cast %swap3A_307 : vector<1x1x128xf32> to vector<1x128xf32>
      %swap3A_309 = vector.shape_cast %add3A_303 : vector<1x128xf32> to vector<1x1x128xf32>
      tpu.vector_store %arg9[%swap3A_304, %swap3A_305, %swap3A_306], %swap3A_309 {strides = array<i32>} : memref<1x1x128xf32, #tpu.memory_space<vmem>>, vector<1x1x128xf32>,
    } else {
    }
    return
  }
  func.func @transform_0(%arg0: i32, %arg1: i32) -> (i32, i32, i32) {
    %c0_i32 = arith.constant 0 : i32
    %c0_i32_0 = arith.constant 0 : i32
    return %arg0, %c0_i32, %arg1 : i32, i32, i32
  }
  func.func @transform_1(%arg0: i32, %arg1: i32) -> (i32, i32, i32) {
    %c0_i32 = arith.constant 0 : i32
    %c0_i32_0 = arith.constant 0 : i32
    return %arg0, %arg1, %c0_i32 : i32, i32, i32
  }
  func.func @transform_2(%arg0: i32, %arg1: i32) -> (i32, i32, i32) {
    %c0_i32 = arith.constant 0 : i32
    %c0_i32_0 = arith.constant 0 : i32
    %c0_i32_1 = arith.constant 0 : i32
    %c0_i32_2 = arith.constant 0 : i32
    return %c0_i32, %c0_i32_0, %c0_i32_1 : i32, i32, i32
  }
  func.func @transform_3(%arg0: i32, %arg1: i32) -> (i32, i32, i32) {
    %c0_i32 = arith.constant 0 : i32
    %c0_i32_0 = arith.constant 0 : i32
    %c0_i32_1 = arith.constant 0 : i32
    %c0_i32_2 = arith.constant 0 : i32
    return %c0_i32, %c0_i32_0, %c0_i32_1 : i32, i32, i32
  }
  func.func @transform_4(%arg0: i32, %arg1: i32) -> (i32, i32) {
    %c0_i32 = arith.constant 0 : i32
    %c0_i32_0 = arith.constant 0 : i32
    return %c0_i32, %arg1 : i32, i32
  }
  func.func @transform_5(%arg0: i32, %arg1: i32) -> (i32, i32, i32, i32) {
    %c0_i32 = arith.constant 0 : i32
    %c0_i32_0 = arith.constant 0 : i32
    %c0_i32_1 = arith.constant 0 : i32
    return %arg0, %arg1, %c0_i32, %c0_i32_0 : i32, i32, i32, i32
  }
  func.func @transform_6(%arg0: i32, %arg1: i32) -> (i32, i32, i32) {
    %c0_i32 = arith.constant 0 : i32
    %c0_i32_0 = arith.constant 0 : i32
    return %arg0, %c0_i32, %arg1 : i32, i32, i32
  }
  func.func @transform_7(%arg0: i32, %arg1: i32) -> (i32, i32, i32) {
    %c0_i32 = arith.constant 0 : i32
    %c0_i32_0 = arith.constant 0 : i32
    %c0_i32_1 = arith.constant 0 : i32
    return %arg0, %c0_i32, %c0_i32_0 : i32, i32, i32
  }
}

module attributes {stable_mosaic.version = 14 : i64} {
  func.func @_k3_body(%arg0: memref<16x1x128xf32, #tpu.memory_space<vmem>>, %arg1: memref<16x1x128xf32, #tpu.memory_space<vmem>>, %arg2: memref<16x32xf32, #tpu.memory_space<vmem>>, %arg3: memref<1x128xf32, #tpu.memory_space<vmem>>) attributes {dimension_semantics = [], scalar_prefetch = 0 : i64, scratch_operands = 0 : i64, tpu.core_type = #tpu.core_type<tc>} {
    %get3A = arith.constant 0 : index
    %get3A_0 = arith.constant 0 : index
    %get3A_1 = arith.constant 0 : index
    %get3A_2 = vector.load %arg0[%get3A, %get3A_0, %get3A_1] : memref<16x1x128xf32, #tpu.memory_space<vmem>>, vector<16x1x128xf32>
    %iota3A = tpu.iota {dimensions = array<i32: 2>} : vector<16x1x128xi32>
    %eq3A = arith.constant 0 : i32
    %eq3A_3 = vector.broadcast %eq3A : i32 to vector<16x1x128xi32>
    %eq3A_4 = arith.cmpi eq, %iota3A, %eq3A_3 : vector<16x1x128xi32>
    %jit3A = arith.constant 0.000000e+00 : f32
    %broadcast_in_dim3A = vector.broadcast %jit3A : f32 to vector<16x1x128xf32>
    %select_n3A = arith.select %eq3A_4, %get3A_2, %broadcast_in_dim3A : vector<16x1x128xi1>, vector<16x1x128xf32>
    %reduce_sum3A = vector.shape_cast %select_n3A : vector<16x1x128xf32> to vector<1x16x1x128xf32>
    %reduce_sum3A_5 = arith.constant dense<0.000000e+00> : vector<1xf32>
    %reduce_sum3A_6 = vector.multi_reduction <add>, %reduce_sum3A, %reduce_sum3A_5 [1, 2, 3] : vector<1x16x1x128xf32> to vector<1xf32>
    %reduce_sum3A_7 = vector.shape_cast %reduce_sum3A_6 : vector<1xf32> to vector<1x1x1x1xf32>
    %reduce_sum3A_8 = vector.extract %reduce_sum3A_7[0, 0, 0, 0] : f32 from vector<1x1x1x1xf32>
    %eq3A_9 = arith.constant 1 : i32
    %eq3A_10 = vector.broadcast %eq3A_9 : i32 to vector<16x1x128xi32>
    %eq3A_11 = arith.cmpi eq, %iota3A, %eq3A_10 : vector<16x1x128xi32>
    %jit3A_12 = arith.constant 0.000000e+00 : f32
    %broadcast_in_dim3A_13 = vector.broadcast %jit3A_12 : f32 to vector<16x1x128xf32>
    %select_n3A_14 = arith.select %eq3A_11, %get3A_2, %broadcast_in_dim3A_13 : vector<16x1x128xi1>, vector<16x1x128xf32>
    %reduce_sum3A_15 = vector.shape_cast %select_n3A_14 : vector<16x1x128xf32> to vector<1x16x1x128xf32>
    %reduce_sum3A_16 = arith.constant dense<0.000000e+00> : vector<1xf32>
    %reduce_sum3A_17 = vector.multi_reduction <add>, %reduce_sum3A_15, %reduce_sum3A_16 [1, 2, 3] : vector<1x16x1x128xf32> to vector<1xf32>
    %reduce_sum3A_18 = vector.shape_cast %reduce_sum3A_17 : vector<1xf32> to vector<1x1x1x1xf32>
    %reduce_sum3A_19 = vector.extract %reduce_sum3A_18[0, 0, 0, 0] : f32 from vector<1x1x1x1xf32>
    %eq3A_20 = arith.constant 2 : i32
    %eq3A_21 = vector.broadcast %eq3A_20 : i32 to vector<16x1x128xi32>
    %eq3A_22 = arith.cmpi eq, %iota3A, %eq3A_21 : vector<16x1x128xi32>
    %jit3A_23 = arith.constant 0.000000e+00 : f32
    %broadcast_in_dim3A_24 = vector.broadcast %jit3A_23 : f32 to vector<16x1x128xf32>
    %select_n3A_25 = arith.select %eq3A_22, %get3A_2, %broadcast_in_dim3A_24 : vector<16x1x128xi1>, vector<16x1x128xf32>
    %reduce_sum3A_26 = vector.shape_cast %select_n3A_25 : vector<16x1x128xf32> to vector<1x16x1x128xf32>
    %reduce_sum3A_27 = arith.constant dense<0.000000e+00> : vector<1xf32>
    %reduce_sum3A_28 = vector.multi_reduction <add>, %reduce_sum3A_26, %reduce_sum3A_27 [1, 2, 3] : vector<1x16x1x128xf32> to vector<1xf32>
    %reduce_sum3A_29 = vector.shape_cast %reduce_sum3A_28 : vector<1xf32> to vector<1x1x1x1xf32>
    %reduce_sum3A_30 = vector.extract %reduce_sum3A_29[0, 0, 0, 0] : f32 from vector<1x1x1x1xf32>
    %get3A_31 = arith.constant 0 : index
    %get3A_32 = arith.constant 0 : index
    %get3A_33 = arith.constant 0 : index
    %get3A_34 = vector.load %arg1[%get3A_31, %get3A_32, %get3A_33] : memref<16x1x128xf32, #tpu.memory_space<vmem>>, vector<16x1x128xf32>
    %eq3A_35 = arith.constant 0 : i32
    %eq3A_36 = vector.broadcast %eq3A_35 : i32 to vector<16x1x128xi32>
    %eq3A_37 = arith.cmpi eq, %iota3A, %eq3A_36 : vector<16x1x128xi32>
    %jit3A_38 = arith.constant 0.000000e+00 : f32
    %broadcast_in_dim3A_39 = vector.broadcast %jit3A_38 : f32 to vector<16x1x128xf32>
    %select_n3A_40 = arith.select %eq3A_37, %get3A_34, %broadcast_in_dim3A_39 : vector<16x1x128xi1>, vector<16x1x128xf32>
    %reduce_sum3A_41 = arith.constant dense<0.000000e+00> : vector<16x1xf32>
    %reduce_sum3A_42 = vector.multi_reduction <add>, %select_n3A_40, %reduce_sum3A_41 [2] : vector<16x1x128xf32> to vector<16x1xf32>
    %broadcast_in_dim3A_43 = vector.shape_cast %reduce_sum3A_42 : vector<16x1xf32> to vector<16x1x1xf32>
    %eq3A_44 = arith.constant 16 : i32
    %eq3A_45 = vector.broadcast %eq3A_44 : i32 to vector<16x1x128xi32>
    %eq3A_46 = arith.cmpi eq, %iota3A, %eq3A_45 : vector<16x1x128xi32>
    %jit3A_47 = arith.constant 0.000000e+00 : f32
    %broadcast_in_dim3A_48 = vector.broadcast %jit3A_47 : f32 to vector<16x1x128xf32>
    %select_n3A_49 = arith.select %eq3A_46, %get3A_34, %broadcast_in_dim3A_48 : vector<16x1x128xi1>, vector<16x1x128xf32>
    %reduce_sum3A_50 = arith.constant dense<0.000000e+00> : vector<16x1xf32>
    %reduce_sum3A_51 = vector.multi_reduction <add>, %select_n3A_49, %reduce_sum3A_50 [2] : vector<16x1x128xf32> to vector<16x1xf32>
    %broadcast_in_dim3A_52 = vector.shape_cast %reduce_sum3A_51 : vector<16x1xf32> to vector<16x1x1xf32>
    %get3A_53 = arith.constant 0 : index
    %get3A_54 = arith.constant 0 : index
    %get3A_55 = vector.load %arg2[%get3A_53, %get3A_54] : memref<16x32xf32, #tpu.memory_space<vmem>>, vector<16x32xf32>
    %iota3A_56 = tpu.iota {dimensions = array<i32: 1>} : vector<16x32xi32>
    %lt3A = arith.constant 16 : i32
    %lt3A_57 = vector.broadcast %lt3A : i32 to vector<16x32xi32>
    %lt3A_58 = arith.cmpi slt, %iota3A_56, %lt3A_57 : vector<16x32xi32>
    %jit3A_59 = arith.constant 0.000000e+00 : f32
    %broadcast_in_dim3A_60 = vector.broadcast %jit3A_59 : f32 to vector<16x32xf32>
    %select_n3A_61 = arith.select %lt3A_58, %get3A_55, %broadcast_in_dim3A_60 : vector<16x32xi1>, vector<16x32xf32>
    %reduce_sum3A_62 = arith.constant dense<0.000000e+00> : vector<16xf32>
    %reduce_sum3A_63 = vector.multi_reduction <add>, %select_n3A_61, %reduce_sum3A_62 [1] : vector<16x32xf32> to vector<16xf32>
    %broadcast_in_dim3A_64 = vector.shape_cast %reduce_sum3A_63 : vector<16xf32> to vector<16x1xf32>
    %broadcast_in_dim3A_65 = vector.shape_cast %broadcast_in_dim3A_64 : vector<16x1xf32> to vector<16x1x1xf32>
    %ge3A = arith.constant 16 : i32
    %ge3A_66 = vector.broadcast %ge3A : i32 to vector<16x32xi32>
    %ge3A_67 = arith.cmpi sge, %iota3A_56, %ge3A_66 : vector<16x32xi32>
    %jit3A_68 = arith.constant 0.000000e+00 : f32
    %broadcast_in_dim3A_69 = vector.broadcast %jit3A_68 : f32 to vector<16x32xf32>
    %select_n3A_70 = arith.select %ge3A_67, %get3A_55, %broadcast_in_dim3A_69 : vector<16x32xi1>, vector<16x32xf32>
    %reduce_sum3A_71 = arith.constant dense<0.000000e+00> : vector<16xf32>
    %reduce_sum3A_72 = vector.multi_reduction <add>, %select_n3A_70, %reduce_sum3A_71 [1] : vector<16x32xf32> to vector<16xf32>
    %broadcast_in_dim3A_73 = vector.shape_cast %reduce_sum3A_72 : vector<16xf32> to vector<16x1xf32>
    %broadcast_in_dim3A_74 = vector.shape_cast %broadcast_in_dim3A_73 : vector<16x1xf32> to vector<16x1x1xf32>
    %sub3A = arith.subf %broadcast_in_dim3A_52, %broadcast_in_dim3A_65 : vector<16x1x1xf32>
    %mul3A = arith.mulf %sub3A, %broadcast_in_dim3A_43 : vector<16x1x1xf32>
    %add3A = arith.addf %broadcast_in_dim3A_74, %mul3A : vector<16x1x1xf32>
    %gt3A = arith.constant 0.000000e+00 : f32
    %gt3A_75 = vector.broadcast %gt3A : f32 to vector<16x1x1xf32>
    %gt3A_76 = arith.cmpf ogt, %broadcast_in_dim3A_52, %gt3A_75 : vector<16x1x1xf32>
    %jit3A_77 = arith.constant 0.000000e+00 : f32
    %broadcast_in_dim3A_78 = vector.broadcast %jit3A_77 : f32 to vector<16x1x1xf32>
    %select_n3A_79 = arith.select %gt3A_76, %add3A, %broadcast_in_dim3A_78 : vector<16x1x1xi1>, vector<16x1x1xf32>
    %reduce_sum3A_80 = vector.shape_cast %select_n3A_79 : vector<16x1x1xf32> to vector<1x16x1x1xf32>
    %reduce_sum3A_81 = arith.constant dense<0.000000e+00> : vector<1xf32>
    %reduce_sum3A_82 = vector.multi_reduction <add>, %reduce_sum3A_80, %reduce_sum3A_81 [1, 2, 3] : vector<1x16x1x1xf32> to vector<1xf32>
    %reduce_sum3A_83 = vector.shape_cast %reduce_sum3A_82 : vector<1xf32> to vector<1x1x1x1xf32>
    %reduce_sum3A_84 = vector.extract %reduce_sum3A_83[0, 0, 0, 0] : f32 from vector<1x1x1x1xf32>
    %iota3A_85 = tpu.iota {dimensions = array<i32: 1>} : vector<1x128xi32>
    %max3A = arith.constant 1.000000e+00 : f32
    %max3A_86 = arith.maximumf %reduce_sum3A_30, %max3A : f32
    %div3A = arith.divf %reduce_sum3A_8, %max3A_86 : f32
    %add3A_87 = arith.addf %reduce_sum3A_19, %reduce_sum3A_84 : f32
    %div3A_88 = arith.divf %add3A_87, %max3A_86 : f32
    %eq3A_89 = arith.constant 0 : i32
    %eq3A_90 = vector.broadcast %eq3A_89 : i32 to vector<1x128xi32>
    %eq3A_91 = arith.cmpi eq, %iota3A_85, %eq3A_90 : vector<1x128xi32>
    %eq3A_92 = arith.constant 1 : i32
    %eq3A_93 = vector.broadcast %eq3A_92 : i32 to vector<1x128xi32>
    %eq3A_94 = arith.cmpi eq, %iota3A_85, %eq3A_93 : vector<1x128xi32>
    %eq3A_95 = arith.constant 2 : i32
    %eq3A_96 = vector.broadcast %eq3A_95 : i32 to vector<1x128xi32>
    %eq3A_97 = arith.cmpi eq, %iota3A_85, %eq3A_96 : vector<1x128xi32>
    %add3A_98 = arith.addf %div3A, %div3A_88 : f32
    %jit3A_99 = arith.constant 0.000000e+00 : f32
    %broadcast_in_dim3A_100 = vector.broadcast %add3A_98 : f32 to vector<1x128xf32>
    %broadcast_in_dim3A_101 = vector.broadcast %jit3A_99 : f32 to vector<1x128xf32>
    %select_n3A_102 = arith.select %eq3A_97, %broadcast_in_dim3A_100, %broadcast_in_dim3A_101 : vector<1x128xi1>, vector<1x128xf32>
    %broadcast_in_dim3A_103 = vector.broadcast %div3A_88 : f32 to vector<1x128xf32>
    %select_n3A_104 = arith.select %eq3A_94, %broadcast_in_dim3A_103, %select_n3A_102 : vector<1x128xi1>, vector<1x128xf32>
    %broadcast_in_dim3A_105 = vector.broadcast %div3A : f32 to vector<1x128xf32>
    %select_n3A_106 = arith.select %eq3A_91, %broadcast_in_dim3A_105, %select_n3A_104 : vector<1x128xi1>, vector<1x128xf32>
    %swap3A = arith.constant 0 : index
    %swap3A_107 = arith.constant 0 : index
    %swap3A_108 = vector.load %arg3[%swap3A, %swap3A_107] : memref<1x128xf32, #tpu.memory_space<vmem>>, vector<1x128xf32>
    tpu.vector_store %arg3[%swap3A, %swap3A_107], %select_n3A_106 {strides = array<i32>} : memref<1x128xf32, #tpu.memory_space<vmem>>, vector<1x128xf32>,
    return
  }
}

module attributes {stable_mosaic.version = 14 : i64} {
  func.func @_k2a_body(%arg0: memref<16x160x128xf32, #tpu.memory_space<vmem>>, %arg1: memref<16x1x20480xf32, #tpu.memory_space<vmem>>, %arg2: memref<16x1x128xf32, #tpu.memory_space<vmem>>, %arg3: memref<16x160x128xf32, #tpu.memory_space<vmem>>, %arg4: memref<16x1x128xf32, #tpu.memory_space<vmem>>) attributes {dimension_semantics = [], scalar_prefetch = 0 : i64, scratch_operands = 0 : i64, tpu.core_type = #tpu.core_type<tc>} {
    %iota3A = tpu.iota {dimensions = array<i32: 2>} : vector<16x1x128xi32>
    %get3A = arith.constant 0 : index
    %get3A_0 = arith.constant 0 : index
    %get3A_1 = arith.constant 0 : index
    %get3A_2 = vector.load %arg2[%get3A, %get3A_0, %get3A_1] : memref<16x1x128xf32, #tpu.memory_space<vmem>>, vector<16x1x128xf32>
    %get3A_3 = arith.constant 0 : index
    %get3A_4 = arith.constant 0 : index
    %get3A_5 = arith.constant 0 : index
    %get3A_6 = vector.load %arg1[%get3A_3, %get3A_4, %get3A_5] : memref<16x1x20480xf32, #tpu.memory_space<vmem>>, vector<16x1x20480xf32>
    %reshape3A = vector.shape_cast %get3A_6 : vector<16x1x20480xf32> to vector<16x160x128xf32>
    %gt3A = arith.constant 0.000000e+00 : f32
    %gt3A_7 = vector.broadcast %gt3A : f32 to vector<16x160x128xf32>
    %gt3A_8 = arith.cmpf ogt, %reshape3A, %gt3A_7 : vector<16x160x128xf32>
    %get3A_9 = arith.constant 0 : index
    %get3A_10 = arith.constant 0 : index
    %get3A_11 = arith.constant 0 : index
    %get3A_12 = vector.load %arg0[%get3A_9, %get3A_10, %get3A_11] : memref<16x160x128xf32, #tpu.memory_space<vmem>>, vector<16x160x128xf32>
    %jit3A = arith.constant -0.000000e+00 : f32
    %broadcast_in_dim3A = vector.broadcast %jit3A : f32 to vector<16x160x128xf32>
    %select_n3A = arith.select %gt3A_8, %broadcast_in_dim3A, %get3A_12 : vector<16x160x128xi1>, vector<16x160x128xf32>
    %bitcast_convert_type3A = tpu.bitcast %select_n3A : vector<16x160x128xf32> -> vector<16x160x128xi32>
    %xor3A = arith.constant -2147483648 : i32
    %xor3A_13 = vector.broadcast %xor3A : i32 to vector<16x160x128xi32>
    %xor3A_14 = arith.xori %bitcast_convert_type3A, %xor3A_13 : vector<16x160x128xi32>
    %eq3A = arith.constant 2 : i32
    %eq3A_15 = vector.broadcast %eq3A : i32 to vector<16x1x128xi32>
    %eq3A_16 = arith.cmpi eq, %iota3A, %eq3A_15 : vector<16x1x128xi32>
    %jit3A_17 = arith.constant 0.000000e+00 : f32
    %broadcast_in_dim3A_18 = vector.broadcast %jit3A_17 : f32 to vector<16x1x128xf32>
    %select_n3A_19 = arith.select %eq3A_16, %get3A_2, %broadcast_in_dim3A_18 : vector<16x1x128xi1>, vector<16x1x128xf32>
    %reduce_sum3A = arith.constant dense<0.000000e+00> : vector<16x1xf32>
    %reduce_sum3A_20 = vector.multi_reduction <add>, %select_n3A_19, %reduce_sum3A [2] : vector<16x1x128xf32> to vector<16x1xf32>
    %broadcast_in_dim3A_21 = vector.shape_cast %reduce_sum3A_20 : vector<16x1xf32> to vector<16x1x1xf32>
    %convert_element_type3A = arith.fptosi %broadcast_in_dim3A_21 : vector<16x1x1xf32> to vector<16x1x1xi32>
    %mul3A = arith.constant 7 : i32
    %mul3A_22 = vector.broadcast %mul3A : i32 to vector<16x1x1xi32>
    %mul3A_23 = arith.muli %mul3A_22, %convert_element_type3A : vector<16x1x1xi32>
    %sub3A = arith.constant 20000 : i32
    %sub3A_24 = vector.broadcast %sub3A : i32 to vector<16x1x1xi32>
    %sub3A_25 = arith.subi %sub3A_24, %convert_element_type3A : vector<16x1x1xi32>
    %min3A = arith.minsi %mul3A_23, %sub3A_25 : vector<16x1x1xi32>
    %broadcast_in_dim3A_26 = arith.constant -2147483648 : i32
    %broadcast_in_dim3A_27 = vector.broadcast %broadcast_in_dim3A_26 : i32 to vector<16x1x1xi32>
    %or3A = arith.constant 1073741824 : i32
    %or3A_28 = vector.broadcast %or3A : i32 to vector<16x1x1xi32>
    %or3A_29 = arith.ori %broadcast_in_dim3A_27, %or3A_28 : vector<16x1x1xi32>
    %ge3A = vector.broadcast %or3A_29 : vector<16x1x1xi32> to vector<16x160x128xi32>
    %ge3A_30 = arith.cmpi uge, %xor3A_14, %ge3A : vector<16x160x128xi32>
    %convert_element_type3A_31 = arith.extui %ge3A_30 : vector<16x160x128xi1> to vector<16x160x128xi32>
    %reduce_sum3A_32 = arith.constant dense<0> : vector<16xi32>
    %reduce_sum3A_33 = vector.multi_reduction <add>, %convert_element_type3A_31, %reduce_sum3A_32 [1, 2] : vector<16x160x128xi32> to vector<16xi32>
    %broadcast_in_dim3A_34 = vector.shape_cast %reduce_sum3A_33 : vector<16xi32> to vector<16x1x1xi32>
    %ge3A_35 = arith.cmpi sge, %broadcast_in_dim3A_34, %min3A : vector<16x1x1xi32>
    %select_n3A_36 = arith.select %ge3A_35, %or3A_29, %broadcast_in_dim3A_27 : vector<16x1x1xi1>, vector<16x1x1xi32>
    %or3A_37 = arith.constant 536870912 : i32
    %or3A_38 = vector.broadcast %or3A_37 : i32 to vector<16x1x1xi32>
    %or3A_39 = arith.ori %select_n3A_36, %or3A_38 : vector<16x1x1xi32>
    %ge3A_40 = vector.broadcast %or3A_39 : vector<16x1x1xi32> to vector<16x160x128xi32>
    %ge3A_41 = arith.cmpi uge, %xor3A_14, %ge3A_40 : vector<16x160x128xi32>
    %convert_element_type3A_42 = arith.extui %ge3A_41 : vector<16x160x128xi1> to vector<16x160x128xi32>
    %reduce_sum3A_43 = arith.constant dense<0> : vector<16xi32>
    %reduce_sum3A_44 = vector.multi_reduction <add>, %convert_element_type3A_42, %reduce_sum3A_43 [1, 2] : vector<16x160x128xi32> to vector<16xi32>
    %broadcast_in_dim3A_45 = vector.shape_cast %reduce_sum3A_44 : vector<16xi32> to vector<16x1x1xi32>
    %ge3A_46 = arith.cmpi sge, %broadcast_in_dim3A_45, %min3A : vector<16x1x1xi32>
    %select_n3A_47 = arith.select %ge3A_46, %or3A_39, %select_n3A_36 : vector<16x1x1xi1>, vector<16x1x1xi32>
    %or3A_48 = arith.constant 268435456 : i32
    %or3A_49 = vector.broadcast %or3A_48 : i32 to vector<16x1x1xi32>
    %or3A_50 = arith.ori %select_n3A_47, %or3A_49 : vector<16x1x1xi32>
    %ge3A_51 = vector.broadcast %or3A_50 : vector<16x1x1xi32> to vector<16x160x128xi32>
    %ge3A_52 = arith.cmpi uge, %xor3A_14, %ge3A_51 : vector<16x160x128xi32>
    %convert_element_type3A_53 = arith.extui %ge3A_52 : vector<16x160x128xi1> to vector<16x160x128xi32>
    %reduce_sum3A_54 = arith.constant dense<0> : vector<16xi32>
    %reduce_sum3A_55 = vector.multi_reduction <add>, %convert_element_type3A_53, %reduce_sum3A_54 [1, 2] : vector<16x160x128xi32> to vector<16xi32>
    %broadcast_in_dim3A_56 = vector.shape_cast %reduce_sum3A_55 : vector<16xi32> to vector<16x1x1xi32>
    %ge3A_57 = arith.cmpi sge, %broadcast_in_dim3A_56, %min3A : vector<16x1x1xi32>
    %select_n3A_58 = arith.select %ge3A_57, %or3A_50, %select_n3A_47 : vector<16x1x1xi1>, vector<16x1x1xi32>
    %or3A_59 = arith.constant 134217728 : i32
    %or3A_60 = vector.broadcast %or3A_59 : i32 to vector<16x1x1xi32>
    %or3A_61 = arith.ori %select_n3A_58, %or3A_60 : vector<16x1x1xi32>
    %ge3A_62 = vector.broadcast %or3A_61 : vector<16x1x1xi32> to vector<16x160x128xi32>
    %ge3A_63 = arith.cmpi uge, %xor3A_14, %ge3A_62 : vector<16x160x128xi32>
    %convert_element_type3A_64 = arith.extui %ge3A_63 : vector<16x160x128xi1> to vector<16x160x128xi32>
    %reduce_sum3A_65 = arith.constant dense<0> : vector<16xi32>
    %reduce_sum3A_66 = vector.multi_reduction <add>, %convert_element_type3A_64, %reduce_sum3A_65 [1, 2] : vector<16x160x128xi32> to vector<16xi32>
    %broadcast_in_dim3A_67 = vector.shape_cast %reduce_sum3A_66 : vector<16xi32> to vector<16x1x1xi32>
    %ge3A_68 = arith.cmpi sge, %broadcast_in_dim3A_67, %min3A : vector<16x1x1xi32>
    %select_n3A_69 = arith.select %ge3A_68, %or3A_61, %select_n3A_58 : vector<16x1x1xi1>, vector<16x1x1xi32>
    %or3A_70 = arith.constant 67108864 : i32
    %or3A_71 = vector.broadcast %or3A_70 : i32 to vector<16x1x1xi32>
    %or3A_72 = arith.ori %select_n3A_69, %or3A_71 : vector<16x1x1xi32>
    %ge3A_73 = vector.broadcast %or3A_72 : vector<16x1x1xi32> to vector<16x160x128xi32>
    %ge3A_74 = arith.cmpi uge, %xor3A_14, %ge3A_73 : vector<16x160x128xi32>
    %convert_element_type3A_75 = arith.extui %ge3A_74 : vector<16x160x128xi1> to vector<16x160x128xi32>
    %reduce_sum3A_76 = arith.constant dense<0> : vector<16xi32>
    %reduce_sum3A_77 = vector.multi_reduction <add>, %convert_element_type3A_75, %reduce_sum3A_76 [1, 2] : vector<16x160x128xi32> to vector<16xi32>
    %broadcast_in_dim3A_78 = vector.shape_cast %reduce_sum3A_77 : vector<16xi32> to vector<16x1x1xi32>
    %ge3A_79 = arith.cmpi sge, %broadcast_in_dim3A_78, %min3A : vector<16x1x1xi32>
    %select_n3A_80 = arith.select %ge3A_79, %or3A_72, %select_n3A_69 : vector<16x1x1xi1>, vector<16x1x1xi32>
    %or3A_81 = arith.constant 33554432 : i32
    %or3A_82 = vector.broadcast %or3A_81 : i32 to vector<16x1x1xi32>
    %or3A_83 = arith.ori %select_n3A_80, %or3A_82 : vector<16x1x1xi32>
    %ge3A_84 = vector.broadcast %or3A_83 : vector<16x1x1xi32> to vector<16x160x128xi32>
    %ge3A_85 = arith.cmpi uge, %xor3A_14, %ge3A_84 : vector<16x160x128xi32>
    %convert_element_type3A_86 = arith.extui %ge3A_85 : vector<16x160x128xi1> to vector<16x160x128xi32>
    %reduce_sum3A_87 = arith.constant dense<0> : vector<16xi32>
    %reduce_sum3A_88 = vector.multi_reduction <add>, %convert_element_type3A_86, %reduce_sum3A_87 [1, 2] : vector<16x160x128xi32> to vector<16xi32>
    %broadcast_in_dim3A_89 = vector.shape_cast %reduce_sum3A_88 : vector<16xi32> to vector<16x1x1xi32>
    %ge3A_90 = arith.cmpi sge, %broadcast_in_dim3A_89, %min3A : vector<16x1x1xi32>
    %select_n3A_91 = arith.select %ge3A_90, %or3A_83, %select_n3A_80 : vector<16x1x1xi1>, vector<16x1x1xi32>
    %or3A_92 = arith.constant 16777216 : i32
    %or3A_93 = vector.broadcast %or3A_92 : i32 to vector<16x1x1xi32>
    %or3A_94 = arith.ori %select_n3A_91, %or3A_93 : vector<16x1x1xi32>
    %ge3A_95 = vector.broadcast %or3A_94 : vector<16x1x1xi32> to vector<16x160x128xi32>
    %ge3A_96 = arith.cmpi uge, %xor3A_14, %ge3A_95 : vector<16x160x128xi32>
    %convert_element_type3A_97 = arith.extui %ge3A_96 : vector<16x160x128xi1> to vector<16x160x128xi32>
    %reduce_sum3A_98 = arith.constant dense<0> : vector<16xi32>
    %reduce_sum3A_99 = vector.multi_reduction <add>, %convert_element_type3A_97, %reduce_sum3A_98 [1, 2] : vector<16x160x128xi32> to vector<16xi32>
    %broadcast_in_dim3A_100 = vector.shape_cast %reduce_sum3A_99 : vector<16xi32> to vector<16x1x1xi32>
    %ge3A_101 = arith.cmpi sge, %broadcast_in_dim3A_100, %min3A : vector<16x1x1xi32>
    %select_n3A_102 = arith.select %ge3A_101, %or3A_94, %select_n3A_91 : vector<16x1x1xi1>, vector<16x1x1xi32>
    %or3A_103 = arith.constant 8388608 : i32
    %or3A_104 = vector.broadcast %or3A_103 : i32 to vector<16x1x1xi32>
    %or3A_105 = arith.ori %select_n3A_102, %or3A_104 : vector<16x1x1xi32>
    %ge3A_106 = vector.broadcast %or3A_105 : vector<16x1x1xi32> to vector<16x160x128xi32>
    %ge3A_107 = arith.cmpi uge, %xor3A_14, %ge3A_106 : vector<16x160x128xi32>
    %convert_element_type3A_108 = arith.extui %ge3A_107 : vector<16x160x128xi1> to vector<16x160x128xi32>
    %reduce_sum3A_109 = arith.constant dense<0> : vector<16xi32>
    %reduce_sum3A_110 = vector.multi_reduction <add>, %convert_element_type3A_108, %reduce_sum3A_109 [1, 2] : vector<16x160x128xi32> to vector<16xi32>
    %broadcast_in_dim3A_111 = vector.shape_cast %reduce_sum3A_110 : vector<16xi32> to vector<16x1x1xi32>
    %ge3A_112 = arith.cmpi sge, %broadcast_in_dim3A_111, %min3A : vector<16x1x1xi32>
    %select_n3A_113 = arith.select %ge3A_112, %or3A_105, %select_n3A_102 : vector<16x1x1xi1>, vector<16x1x1xi32>
    %or3A_114 = arith.constant 4194304 : i32
    %or3A_115 = vector.broadcast %or3A_114 : i32 to vector<16x1x1xi32>
    %or3A_116 = arith.ori %select_n3A_113, %or3A_115 : vector<16x1x1xi32>
    %ge3A_117 = vector.broadcast %or3A_116 : vector<16x1x1xi32> to vector<16x160x128xi32>
    %ge3A_118 = arith.cmpi uge, %xor3A_14, %ge3A_117 : vector<16x160x128xi32>
    %convert_element_type3A_119 = arith.extui %ge3A_118 : vector<16x160x128xi1> to vector<16x160x128xi32>
    %reduce_sum3A_120 = arith.constant dense<0> : vector<16xi32>
    %reduce_sum3A_121 = vector.multi_reduction <add>, %convert_element_type3A_119, %reduce_sum3A_120 [1, 2] : vector<16x160x128xi32> to vector<16xi32>
    %broadcast_in_dim3A_122 = vector.shape_cast %reduce_sum3A_121 : vector<16xi32> to vector<16x1x1xi32>
    %ge3A_123 = arith.cmpi sge, %broadcast_in_dim3A_122, %min3A : vector<16x1x1xi32>
    %select_n3A_124 = arith.select %ge3A_123, %or3A_116, %select_n3A_113 : vector<16x1x1xi1>, vector<16x1x1xi32>
    %or3A_125 = arith.constant 2097152 : i32
    %or3A_126 = vector.broadcast %or3A_125 : i32 to vector<16x1x1xi32>
    %or3A_127 = arith.ori %select_n3A_124, %or3A_126 : vector<16x1x1xi32>
    %ge3A_128 = vector.broadcast %or3A_127 : vector<16x1x1xi32> to vector<16x160x128xi32>
    %ge3A_129 = arith.cmpi uge, %xor3A_14, %ge3A_128 : vector<16x160x128xi32>
    %convert_element_type3A_130 = arith.extui %ge3A_129 : vector<16x160x128xi1> to vector<16x160x128xi32>
    %reduce_sum3A_131 = arith.constant dense<0> : vector<16xi32>
    %reduce_sum3A_132 = vector.multi_reduction <add>, %convert_element_type3A_130, %reduce_sum3A_131 [1, 2] : vector<16x160x128xi32> to vector<16xi32>
    %broadcast_in_dim3A_133 = vector.shape_cast %reduce_sum3A_132 : vector<16xi32> to vector<16x1x1xi32>
    %ge3A_134 = arith.cmpi sge, %broadcast_in_dim3A_133, %min3A : vector<16x1x1xi32>
    %select_n3A_135 = arith.select %ge3A_134, %or3A_127, %select_n3A_124 : vector<16x1x1xi1>, vector<16x1x1xi32>
    %or3A_136 = arith.constant 1048576 : i32
    %or3A_137 = vector.broadcast %or3A_136 : i32 to vector<16x1x1xi32>
    %or3A_138 = arith.ori %select_n3A_135, %or3A_137 : vector<16x1x1xi32>
    %ge3A_139 = vector.broadcast %or3A_138 : vector<16x1x1xi32> to vector<16x160x128xi32>
    %ge3A_140 = arith.cmpi uge, %xor3A_14, %ge3A_139 : vector<16x160x128xi32>
    %convert_element_type3A_141 = arith.extui %ge3A_140 : vector<16x160x128xi1> to vector<16x160x128xi32>
    %reduce_sum3A_142 = arith.constant dense<0> : vector<16xi32>
    %reduce_sum3A_143 = vector.multi_reduction <add>, %convert_element_type3A_141, %reduce_sum3A_142 [1, 2] : vector<16x160x128xi32> to vector<16xi32>
    %broadcast_in_dim3A_144 = vector.shape_cast %reduce_sum3A_143 : vector<16xi32> to vector<16x1x1xi32>
    %ge3A_145 = arith.cmpi sge, %broadcast_in_dim3A_144, %min3A : vector<16x1x1xi32>
    %select_n3A_146 = arith.select %ge3A_145, %or3A_138, %select_n3A_135 : vector<16x1x1xi1>, vector<16x1x1xi32>
    %or3A_147 = arith.constant 524288 : i32
    %or3A_148 = vector.broadcast %or3A_147 : i32 to vector<16x1x1xi32>
    %or3A_149 = arith.ori %select_n3A_146, %or3A_148 : vector<16x1x1xi32>
    %ge3A_150 = vector.broadcast %or3A_149 : vector<16x1x1xi32> to vector<16x160x128xi32>
    %ge3A_151 = arith.cmpi uge, %xor3A_14, %ge3A_150 : vector<16x160x128xi32>
    %convert_element_type3A_152 = arith.extui %ge3A_151 : vector<16x160x128xi1> to vector<16x160x128xi32>
    %reduce_sum3A_153 = arith.constant dense<0> : vector<16xi32>
    %reduce_sum3A_154 = vector.multi_reduction <add>, %convert_element_type3A_152, %reduce_sum3A_153 [1, 2] : vector<16x160x128xi32> to vector<16xi32>
    %broadcast_in_dim3A_155 = vector.shape_cast %reduce_sum3A_154 : vector<16xi32> to vector<16x1x1xi32>
    %ge3A_156 = arith.cmpi sge, %broadcast_in_dim3A_155, %min3A : vector<16x1x1xi32>
    %select_n3A_157 = arith.select %ge3A_156, %or3A_149, %select_n3A_146 : vector<16x1x1xi1>, vector<16x1x1xi32>
    %or3A_158 = arith.constant 262144 : i32
    %or3A_159 = vector.broadcast %or3A_158 : i32 to vector<16x1x1xi32>
    %or3A_160 = arith.ori %select_n3A_157, %or3A_159 : vector<16x1x1xi32>
    %ge3A_161 = vector.broadcast %or3A_160 : vector<16x1x1xi32> to vector<16x160x128xi32>
    %ge3A_162 = arith.cmpi uge, %xor3A_14, %ge3A_161 : vector<16x160x128xi32>
    %convert_element_type3A_163 = arith.extui %ge3A_162 : vector<16x160x128xi1> to vector<16x160x128xi32>
    %reduce_sum3A_164 = arith.constant dense<0> : vector<16xi32>
    %reduce_sum3A_165 = vector.multi_reduction <add>, %convert_element_type3A_163, %reduce_sum3A_164 [1, 2] : vector<16x160x128xi32> to vector<16xi32>
    %broadcast_in_dim3A_166 = vector.shape_cast %reduce_sum3A_165 : vector<16xi32> to vector<16x1x1xi32>
    %ge3A_167 = arith.cmpi sge, %broadcast_in_dim3A_166, %min3A : vector<16x1x1xi32>
    %select_n3A_168 = arith.select %ge3A_167, %or3A_160, %select_n3A_157 : vector<16x1x1xi1>, vector<16x1x1xi32>
    %or3A_169 = arith.constant 131072 : i32
    %or3A_170 = vector.broadcast %or3A_169 : i32 to vector<16x1x1xi32>
    %or3A_171 = arith.ori %select_n3A_168, %or3A_170 : vector<16x1x1xi32>
    %ge3A_172 = vector.broadcast %or3A_171 : vector<16x1x1xi32> to vector<16x160x128xi32>
    %ge3A_173 = arith.cmpi uge, %xor3A_14, %ge3A_172 : vector<16x160x128xi32>
    %convert_element_type3A_174 = arith.extui %ge3A_173 : vector<16x160x128xi1> to vector<16x160x128xi32>
    %reduce_sum3A_175 = arith.constant dense<0> : vector<16xi32>
    %reduce_sum3A_176 = vector.multi_reduction <add>, %convert_element_type3A_174, %reduce_sum3A_175 [1, 2] : vector<16x160x128xi32> to vector<16xi32>
    %broadcast_in_dim3A_177 = vector.shape_cast %reduce_sum3A_176 : vector<16xi32> to vector<16x1x1xi32>
    %ge3A_178 = arith.cmpi sge, %broadcast_in_dim3A_177, %min3A : vector<16x1x1xi32>
    %select_n3A_179 = arith.select %ge3A_178, %or3A_171, %select_n3A_168 : vector<16x1x1xi1>, vector<16x1x1xi32>
    %or3A_180 = arith.constant 65536 : i32
    %or3A_181 = vector.broadcast %or3A_180 : i32 to vector<16x1x1xi32>
    %or3A_182 = arith.ori %select_n3A_179, %or3A_181 : vector<16x1x1xi32>
    %ge3A_183 = vector.broadcast %or3A_182 : vector<16x1x1xi32> to vector<16x160x128xi32>
    %ge3A_184 = arith.cmpi uge, %xor3A_14, %ge3A_183 : vector<16x160x128xi32>
    %convert_element_type3A_185 = arith.extui %ge3A_184 : vector<16x160x128xi1> to vector<16x160x128xi32>
    %reduce_sum3A_186 = arith.constant dense<0> : vector<16xi32>
    %reduce_sum3A_187 = vector.multi_reduction <add>, %convert_element_type3A_185, %reduce_sum3A_186 [1, 2] : vector<16x160x128xi32> to vector<16xi32>
    %broadcast_in_dim3A_188 = vector.shape_cast %reduce_sum3A_187 : vector<16xi32> to vector<16x1x1xi32>
    %ge3A_189 = arith.cmpi sge, %broadcast_in_dim3A_188, %min3A : vector<16x1x1xi32>
    %select_n3A_190 = arith.select %ge3A_189, %or3A_182, %select_n3A_179 : vector<16x1x1xi1>, vector<16x1x1xi32>
    %or3A_191 = arith.constant 32768 : i32
    %or3A_192 = vector.broadcast %or3A_191 : i32 to vector<16x1x1xi32>
    %or3A_193 = arith.ori %select_n3A_190, %or3A_192 : vector<16x1x1xi32>
    %ge3A_194 = vector.broadcast %or3A_193 : vector<16x1x1xi32> to vector<16x160x128xi32>
    %ge3A_195 = arith.cmpi uge, %xor3A_14, %ge3A_194 : vector<16x160x128xi32>
    %convert_element_type3A_196 = arith.extui %ge3A_195 : vector<16x160x128xi1> to vector<16x160x128xi32>
    %reduce_sum3A_197 = arith.constant dense<0> : vector<16xi32>
    %reduce_sum3A_198 = vector.multi_reduction <add>, %convert_element_type3A_196, %reduce_sum3A_197 [1, 2] : vector<16x160x128xi32> to vector<16xi32>
    %broadcast_in_dim3A_199 = vector.shape_cast %reduce_sum3A_198 : vector<16xi32> to vector<16x1x1xi32>
    %ge3A_200 = arith.cmpi sge, %broadcast_in_dim3A_199, %min3A : vector<16x1x1xi32>
    %select_n3A_201 = arith.select %ge3A_200, %or3A_193, %select_n3A_190 : vector<16x1x1xi1>, vector<16x1x1xi32>
    %or3A_202 = arith.constant 16384 : i32
    %or3A_203 = vector.broadcast %or3A_202 : i32 to vector<16x1x1xi32>
    %or3A_204 = arith.ori %select_n3A_201, %or3A_203 : vector<16x1x1xi32>
    %ge3A_205 = vector.broadcast %or3A_204 : vector<16x1x1xi32> to vector<16x160x128xi32>
    %ge3A_206 = arith.cmpi uge, %xor3A_14, %ge3A_205 : vector<16x160x128xi32>
    %convert_element_type3A_207 = arith.extui %ge3A_206 : vector<16x160x128xi1> to vector<16x160x128xi32>
    %reduce_sum3A_208 = arith.constant dense<0> : vector<16xi32>
    %reduce_sum3A_209 = vector.multi_reduction <add>, %convert_element_type3A_207, %reduce_sum3A_208 [1, 2] : vector<16x160x128xi32> to vector<16xi32>
    %broadcast_in_dim3A_210 = vector.shape_cast %reduce_sum3A_209 : vector<16xi32> to vector<16x1x1xi32>
    %ge3A_211 = arith.cmpi sge, %broadcast_in_dim3A_210, %min3A : vector<16x1x1xi32>
    %select_n3A_212 = arith.select %ge3A_211, %or3A_204, %select_n3A_201 : vector<16x1x1xi1>, vector<16x1x1xi32>
    %or3A_213 = arith.constant 8192 : i32
    %or3A_214 = vector.broadcast %or3A_213 : i32 to vector<16x1x1xi32>
    %or3A_215 = arith.ori %select_n3A_212, %or3A_214 : vector<16x1x1xi32>
    %ge3A_216 = vector.broadcast %or3A_215 : vector<16x1x1xi32> to vector<16x160x128xi32>
    %ge3A_217 = arith.cmpi uge, %xor3A_14, %ge3A_216 : vector<16x160x128xi32>
    %convert_element_type3A_218 = arith.extui %ge3A_217 : vector<16x160x128xi1> to vector<16x160x128xi32>
    %reduce_sum3A_219 = arith.constant dense<0> : vector<16xi32>
    %reduce_sum3A_220 = vector.multi_reduction <add>, %convert_element_type3A_218, %reduce_sum3A_219 [1, 2] : vector<16x160x128xi32> to vector<16xi32>
    %broadcast_in_dim3A_221 = vector.shape_cast %reduce_sum3A_220 : vector<16xi32> to vector<16x1x1xi32>
    %ge3A_222 = arith.cmpi sge, %broadcast_in_dim3A_221, %min3A : vector<16x1x1xi32>
    %select_n3A_223 = arith.select %ge3A_222, %or3A_215, %select_n3A_212 : vector<16x1x1xi1>, vector<16x1x1xi32>
    %or3A_224 = arith.constant 4096 : i32
    %or3A_225 = vector.broadcast %or3A_224 : i32 to vector<16x1x1xi32>
    %or3A_226 = arith.ori %select_n3A_223, %or3A_225 : vector<16x1x1xi32>
    %ge3A_227 = vector.broadcast %or3A_226 : vector<16x1x1xi32> to vector<16x160x128xi32>
    %ge3A_228 = arith.cmpi uge, %xor3A_14, %ge3A_227 : vector<16x160x128xi32>
    %convert_element_type3A_229 = arith.extui %ge3A_228 : vector<16x160x128xi1> to vector<16x160x128xi32>
    %reduce_sum3A_230 = arith.constant dense<0> : vector<16xi32>
    %reduce_sum3A_231 = vector.multi_reduction <add>, %convert_element_type3A_229, %reduce_sum3A_230 [1, 2] : vector<16x160x128xi32> to vector<16xi32>
    %broadcast_in_dim3A_232 = vector.shape_cast %reduce_sum3A_231 : vector<16xi32> to vector<16x1x1xi32>
    %ge3A_233 = arith.cmpi sge, %broadcast_in_dim3A_232, %min3A : vector<16x1x1xi32>
    %select_n3A_234 = arith.select %ge3A_233, %or3A_226, %select_n3A_223 : vector<16x1x1xi1>, vector<16x1x1xi32>
    %or3A_235 = arith.constant 2048 : i32
    %or3A_236 = vector.broadcast %or3A_235 : i32 to vector<16x1x1xi32>
    %or3A_237 = arith.ori %select_n3A_234, %or3A_236 : vector<16x1x1xi32>
    %ge3A_238 = vector.broadcast %or3A_237 : vector<16x1x1xi32> to vector<16x160x128xi32>
    %ge3A_239 = arith.cmpi uge, %xor3A_14, %ge3A_238 : vector<16x160x128xi32>
    %convert_element_type3A_240 = arith.extui %ge3A_239 : vector<16x160x128xi1> to vector<16x160x128xi32>
    %reduce_sum3A_241 = arith.constant dense<0> : vector<16xi32>
    %reduce_sum3A_242 = vector.multi_reduction <add>, %convert_element_type3A_240, %reduce_sum3A_241 [1, 2] : vector<16x160x128xi32> to vector<16xi32>
    %broadcast_in_dim3A_243 = vector.shape_cast %reduce_sum3A_242 : vector<16xi32> to vector<16x1x1xi32>
    %ge3A_244 = arith.cmpi sge, %broadcast_in_dim3A_243, %min3A : vector<16x1x1xi32>
    %select_n3A_245 = arith.select %ge3A_244, %or3A_237, %select_n3A_234 : vector<16x1x1xi1>, vector<16x1x1xi32>
    %or3A_246 = arith.constant 1024 : i32
    %or3A_247 = vector.broadcast %or3A_246 : i32 to vector<16x1x1xi32>
    %or3A_248 = arith.ori %select_n3A_245, %or3A_247 : vector<16x1x1xi32>
    %ge3A_249 = vector.broadcast %or3A_248 : vector<16x1x1xi32> to vector<16x160x128xi32>
    %ge3A_250 = arith.cmpi uge, %xor3A_14, %ge3A_249 : vector<16x160x128xi32>
    %convert_element_type3A_251 = arith.extui %ge3A_250 : vector<16x160x128xi1> to vector<16x160x128xi32>
    %reduce_sum3A_252 = arith.constant dense<0> : vector<16xi32>
    %reduce_sum3A_253 = vector.multi_reduction <add>, %convert_element_type3A_251, %reduce_sum3A_252 [1, 2] : vector<16x160x128xi32> to vector<16xi32>
    %broadcast_in_dim3A_254 = vector.shape_cast %reduce_sum3A_253 : vector<16xi32> to vector<16x1x1xi32>
    %ge3A_255 = arith.cmpi sge, %broadcast_in_dim3A_254, %min3A : vector<16x1x1xi32>
    %select_n3A_256 = arith.select %ge3A_255, %or3A_248, %select_n3A_245 : vector<16x1x1xi1>, vector<16x1x1xi32>
    %or3A_257 = arith.constant 512 : i32
    %or3A_258 = vector.broadcast %or3A_257 : i32 to vector<16x1x1xi32>
    %or3A_259 = arith.ori %select_n3A_256, %or3A_258 : vector<16x1x1xi32>
    %ge3A_260 = vector.broadcast %or3A_259 : vector<16x1x1xi32> to vector<16x160x128xi32>
    %ge3A_261 = arith.cmpi uge, %xor3A_14, %ge3A_260 : vector<16x160x128xi32>
    %convert_element_type3A_262 = arith.extui %ge3A_261 : vector<16x160x128xi1> to vector<16x160x128xi32>
    %reduce_sum3A_263 = arith.constant dense<0> : vector<16xi32>
    %reduce_sum3A_264 = vector.multi_reduction <add>, %convert_element_type3A_262, %reduce_sum3A_263 [1, 2] : vector<16x160x128xi32> to vector<16xi32>
    %broadcast_in_dim3A_265 = vector.shape_cast %reduce_sum3A_264 : vector<16xi32> to vector<16x1x1xi32>
    %ge3A_266 = arith.cmpi sge, %broadcast_in_dim3A_265, %min3A : vector<16x1x1xi32>
    %select_n3A_267 = arith.select %ge3A_266, %or3A_259, %select_n3A_256 : vector<16x1x1xi1>, vector<16x1x1xi32>
    %or3A_268 = arith.constant 256 : i32
    %or3A_269 = vector.broadcast %or3A_268 : i32 to vector<16x1x1xi32>
    %or3A_270 = arith.ori %select_n3A_267, %or3A_269 : vector<16x1x1xi32>
    %ge3A_271 = vector.broadcast %or3A_270 : vector<16x1x1xi32> to vector<16x160x128xi32>
    %ge3A_272 = arith.cmpi uge, %xor3A_14, %ge3A_271 : vector<16x160x128xi32>
    %convert_element_type3A_273 = arith.extui %ge3A_272 : vector<16x160x128xi1> to vector<16x160x128xi32>
    %reduce_sum3A_274 = arith.constant dense<0> : vector<16xi32>
    %reduce_sum3A_275 = vector.multi_reduction <add>, %convert_element_type3A_273, %reduce_sum3A_274 [1, 2] : vector<16x160x128xi32> to vector<16xi32>
    %broadcast_in_dim3A_276 = vector.shape_cast %reduce_sum3A_275 : vector<16xi32> to vector<16x1x1xi32>
    %ge3A_277 = arith.cmpi sge, %broadcast_in_dim3A_276, %min3A : vector<16x1x1xi32>
    %select_n3A_278 = arith.select %ge3A_277, %or3A_270, %select_n3A_267 : vector<16x1x1xi1>, vector<16x1x1xi32>
    %or3A_279 = arith.constant 128 : i32
    %or3A_280 = vector.broadcast %or3A_279 : i32 to vector<16x1x1xi32>
    %or3A_281 = arith.ori %select_n3A_278, %or3A_280 : vector<16x1x1xi32>
    %ge3A_282 = vector.broadcast %or3A_281 : vector<16x1x1xi32> to vector<16x160x128xi32>
    %ge3A_283 = arith.cmpi uge, %xor3A_14, %ge3A_282 : vector<16x160x128xi32>
    %convert_element_type3A_284 = arith.extui %ge3A_283 : vector<16x160x128xi1> to vector<16x160x128xi32>
    %reduce_sum3A_285 = arith.constant dense<0> : vector<16xi32>
    %reduce_sum3A_286 = vector.multi_reduction <add>, %convert_element_type3A_284, %reduce_sum3A_285 [1, 2] : vector<16x160x128xi32> to vector<16xi32>
    %broadcast_in_dim3A_287 = vector.shape_cast %reduce_sum3A_286 : vector<16xi32> to vector<16x1x1xi32>
    %ge3A_288 = arith.cmpi sge, %broadcast_in_dim3A_287, %min3A : vector<16x1x1xi32>
    %select_n3A_289 = arith.select %ge3A_288, %or3A_281, %select_n3A_278 : vector<16x1x1xi1>, vector<16x1x1xi32>
    %or3A_290 = arith.constant 64 : i32
    %or3A_291 = vector.broadcast %or3A_290 : i32 to vector<16x1x1xi32>
    %or3A_292 = arith.ori %select_n3A_289, %or3A_291 : vector<16x1x1xi32>
    %ge3A_293 = vector.broadcast %or3A_292 : vector<16x1x1xi32> to vector<16x160x128xi32>
    %ge3A_294 = arith.cmpi uge, %xor3A_14, %ge3A_293 : vector<16x160x128xi32>
    %convert_element_type3A_295 = arith.extui %ge3A_294 : vector<16x160x128xi1> to vector<16x160x128xi32>
    %reduce_sum3A_296 = arith.constant dense<0> : vector<16xi32>
    %reduce_sum3A_297 = vector.multi_reduction <add>, %convert_element_type3A_295, %reduce_sum3A_296 [1, 2] : vector<16x160x128xi32> to vector<16xi32>
    %broadcast_in_dim3A_298 = vector.shape_cast %reduce_sum3A_297 : vector<16xi32> to vector<16x1x1xi32>
    %ge3A_299 = arith.cmpi sge, %broadcast_in_dim3A_298, %min3A : vector<16x1x1xi32>
    %select_n3A_300 = arith.select %ge3A_299, %or3A_292, %select_n3A_289 : vector<16x1x1xi1>, vector<16x1x1xi32>
    %or3A_301 = arith.constant 32 : i32
    %or3A_302 = vector.broadcast %or3A_301 : i32 to vector<16x1x1xi32>
    %or3A_303 = arith.ori %select_n3A_300, %or3A_302 : vector<16x1x1xi32>
    %ge3A_304 = vector.broadcast %or3A_303 : vector<16x1x1xi32> to vector<16x160x128xi32>
    %ge3A_305 = arith.cmpi uge, %xor3A_14, %ge3A_304 : vector<16x160x128xi32>
    %convert_element_type3A_306 = arith.extui %ge3A_305 : vector<16x160x128xi1> to vector<16x160x128xi32>
    %reduce_sum3A_307 = arith.constant dense<0> : vector<16xi32>
    %reduce_sum3A_308 = vector.multi_reduction <add>, %convert_element_type3A_306, %reduce_sum3A_307 [1, 2] : vector<16x160x128xi32> to vector<16xi32>
    %broadcast_in_dim3A_309 = vector.shape_cast %reduce_sum3A_308 : vector<16xi32> to vector<16x1x1xi32>
    %ge3A_310 = arith.cmpi sge, %broadcast_in_dim3A_309, %min3A : vector<16x1x1xi32>
    %select_n3A_311 = arith.select %ge3A_310, %or3A_303, %select_n3A_300 : vector<16x1x1xi1>, vector<16x1x1xi32>
    %or3A_312 = arith.constant 16 : i32
    %or3A_313 = vector.broadcast %or3A_312 : i32 to vector<16x1x1xi32>
    %or3A_314 = arith.ori %select_n3A_311, %or3A_313 : vector<16x1x1xi32>
    %ge3A_315 = vector.broadcast %or3A_314 : vector<16x1x1xi32> to vector<16x160x128xi32>
    %ge3A_316 = arith.cmpi uge, %xor3A_14, %ge3A_315 : vector<16x160x128xi32>
    %convert_element_type3A_317 = arith.extui %ge3A_316 : vector<16x160x128xi1> to vector<16x160x128xi32>
    %reduce_sum3A_318 = arith.constant dense<0> : vector<16xi32>
    %reduce_sum3A_319 = vector.multi_reduction <add>, %convert_element_type3A_317, %reduce_sum3A_318 [1, 2] : vector<16x160x128xi32> to vector<16xi32>
    %broadcast_in_dim3A_320 = vector.shape_cast %reduce_sum3A_319 : vector<16xi32> to vector<16x1x1xi32>
    %ge3A_321 = arith.cmpi sge, %broadcast_in_dim3A_320, %min3A : vector<16x1x1xi32>
    %select_n3A_322 = arith.select %ge3A_321, %or3A_314, %select_n3A_311 : vector<16x1x1xi1>, vector<16x1x1xi32>
    %or3A_323 = arith.constant 8 : i32
    %or3A_324 = vector.broadcast %or3A_323 : i32 to vector<16x1x1xi32>
    %or3A_325 = arith.ori %select_n3A_322, %or3A_324 : vector<16x1x1xi32>
    %ge3A_326 = vector.broadcast %or3A_325 : vector<16x1x1xi32> to vector<16x160x128xi32>
    %ge3A_327 = arith.cmpi uge, %xor3A_14, %ge3A_326 : vector<16x160x128xi32>
    %convert_element_type3A_328 = arith.extui %ge3A_327 : vector<16x160x128xi1> to vector<16x160x128xi32>
    %reduce_sum3A_329 = arith.constant dense<0> : vector<16xi32>
    %reduce_sum3A_330 = vector.multi_reduction <add>, %convert_element_type3A_328, %reduce_sum3A_329 [1, 2] : vector<16x160x128xi32> to vector<16xi32>
    %broadcast_in_dim3A_331 = vector.shape_cast %reduce_sum3A_330 : vector<16xi32> to vector<16x1x1xi32>
    %ge3A_332 = arith.cmpi sge, %broadcast_in_dim3A_331, %min3A : vector<16x1x1xi32>
    %select_n3A_333 = arith.select %ge3A_332, %or3A_325, %select_n3A_322 : vector<16x1x1xi1>, vector<16x1x1xi32>
    %or3A_334 = arith.constant 4 : i32
    %or3A_335 = vector.broadcast %or3A_334 : i32 to vector<16x1x1xi32>
    %or3A_336 = arith.ori %select_n3A_333, %or3A_335 : vector<16x1x1xi32>
    %ge3A_337 = vector.broadcast %or3A_336 : vector<16x1x1xi32> to vector<16x160x128xi32>
    %ge3A_338 = arith.cmpi uge, %xor3A_14, %ge3A_337 : vector<16x160x128xi32>
    %convert_element_type3A_339 = arith.extui %ge3A_338 : vector<16x160x128xi1> to vector<16x160x128xi32>
    %reduce_sum3A_340 = arith.constant dense<0> : vector<16xi32>
    %reduce_sum3A_341 = vector.multi_reduction <add>, %convert_element_type3A_339, %reduce_sum3A_340 [1, 2] : vector<16x160x128xi32> to vector<16xi32>
    %broadcast_in_dim3A_342 = vector.shape_cast %reduce_sum3A_341 : vector<16xi32> to vector<16x1x1xi32>
    %ge3A_343 = arith.cmpi sge, %broadcast_in_dim3A_342, %min3A : vector<16x1x1xi32>
    %select_n3A_344 = arith.select %ge3A_343, %or3A_336, %select_n3A_333 : vector<16x1x1xi1>, vector<16x1x1xi32>
    %or3A_345 = arith.constant 2 : i32
    %or3A_346 = vector.broadcast %or3A_345 : i32 to vector<16x1x1xi32>
    %or3A_347 = arith.ori %select_n3A_344, %or3A_346 : vector<16x1x1xi32>
    %ge3A_348 = vector.broadcast %or3A_347 : vector<16x1x1xi32> to vector<16x160x128xi32>
    %ge3A_349 = arith.cmpi uge, %xor3A_14, %ge3A_348 : vector<16x160x128xi32>
    %convert_element_type3A_350 = arith.extui %ge3A_349 : vector<16x160x128xi1> to vector<16x160x128xi32>
    %reduce_sum3A_351 = arith.constant dense<0> : vector<16xi32>
    %reduce_sum3A_352 = vector.multi_reduction <add>, %convert_element_type3A_350, %reduce_sum3A_351 [1, 2] : vector<16x160x128xi32> to vector<16xi32>
    %broadcast_in_dim3A_353 = vector.shape_cast %reduce_sum3A_352 : vector<16xi32> to vector<16x1x1xi32>
    %ge3A_354 = arith.cmpi sge, %broadcast_in_dim3A_353, %min3A : vector<16x1x1xi32>
    %select_n3A_355 = arith.select %ge3A_354, %or3A_347, %select_n3A_344 : vector<16x1x1xi1>, vector<16x1x1xi32>
    %or3A_356 = arith.constant 1 : i32
    %or3A_357 = vector.broadcast %or3A_356 : i32 to vector<16x1x1xi32>
    %or3A_358 = arith.ori %select_n3A_355, %or3A_357 : vector<16x1x1xi32>
    %ge3A_359 = vector.broadcast %or3A_358 : vector<16x1x1xi32> to vector<16x160x128xi32>
    %ge3A_360 = arith.cmpi uge, %xor3A_14, %ge3A_359 : vector<16x160x128xi32>
    %convert_element_type3A_361 = arith.extui %ge3A_360 : vector<16x160x128xi1> to vector<16x160x128xi32>
    %reduce_sum3A_362 = arith.constant dense<0> : vector<16xi32>
    %reduce_sum3A_363 = vector.multi_reduction <add>, %convert_element_type3A_361, %reduce_sum3A_362 [1, 2] : vector<16x160x128xi32> to vector<16xi32>
    %broadcast_in_dim3A_364 = vector.shape_cast %reduce_sum3A_363 : vector<16xi32> to vector<16x1x1xi32>
    %ge3A_365 = arith.cmpi sge, %broadcast_in_dim3A_364, %min3A : vector<16x1x1xi32>
    %select_n3A_366 = arith.select %ge3A_365, %or3A_358, %select_n3A_355 : vector<16x1x1xi1>, vector<16x1x1xi32>
    %xor3A_367 = arith.constant -2147483648 : i32
    %xor3A_368 = vector.broadcast %xor3A_367 : i32 to vector<16x1x1xi32>
    %xor3A_369 = arith.xori %select_n3A_366, %xor3A_368 : vector<16x1x1xi32>
    %bitcast_convert_type3A_370 = tpu.bitcast %xor3A_369 : vector<16x1x1xi32> -> vector<16x1x1xf32>
    %swap3A = arith.constant 0 : index
    %swap3A_371 = arith.constant 0 : index
    %swap3A_372 = arith.constant 0 : index
    %swap3A_373 = vector.load %arg3[%swap3A, %swap3A_371, %swap3A_372] : memref<16x160x128xf32, #tpu.memory_space<vmem>>, vector<16x160x128xf32>
    tpu.vector_store %arg3[%swap3A, %swap3A_371, %swap3A_372], %select_n3A {strides = array<i32>} : memref<16x160x128xf32, #tpu.memory_space<vmem>>, vector<16x160x128xf32>,
    %lt3A = arith.constant 16 : i32
    %lt3A_374 = vector.broadcast %lt3A : i32 to vector<16x1x128xi32>
    %lt3A_375 = arith.cmpi slt, %iota3A, %lt3A_374 : vector<16x1x128xi32>
    %lt3A_376 = arith.constant 32 : i32
    %lt3A_377 = vector.broadcast %lt3A_376 : i32 to vector<16x1x128xi32>
    %lt3A_378 = arith.cmpi slt, %iota3A, %lt3A_377 : vector<16x1x128xi32>
    %convert_element_type3A_379 = arith.sitofp %min3A : vector<16x1x1xi32> to vector<16x1x1xf32>
    %jit3A_380 = arith.constant 0.000000e+00 : f32
    %broadcast_in_dim3A_381 = vector.shape_cast %convert_element_type3A_379 : vector<16x1x1xf32> to vector<16x1x1xf32>
    %broadcast_in_dim3A_382 = vector.broadcast %broadcast_in_dim3A_381 : vector<16x1x1xf32> to vector<16x1x128xf32>
    %broadcast_in_dim3A_383 = vector.broadcast %jit3A_380 : f32 to vector<16x1x128xf32>
    %select_n3A_384 = arith.select %lt3A_378, %broadcast_in_dim3A_382, %broadcast_in_dim3A_383 : vector<16x1x128xi1>, vector<16x1x128xf32>
    %broadcast_in_dim3A_385 = vector.shape_cast %bitcast_convert_type3A_370 : vector<16x1x1xf32> to vector<16x1x1xf32>
    %broadcast_in_dim3A_386 = vector.broadcast %broadcast_in_dim3A_385 : vector<16x1x1xf32> to vector<16x1x128xf32>
    %select_n3A_387 = arith.select %lt3A_375, %broadcast_in_dim3A_386, %select_n3A_384 : vector<16x1x128xi1>, vector<16x1x128xf32>
    %swap3A_388 = arith.constant 0 : index
    %swap3A_389 = arith.constant 0 : index
    %swap3A_390 = arith.constant 0 : index
    %swap3A_391 = vector.load %arg4[%swap3A_388, %swap3A_389, %swap3A_390] : memref<16x1x128xf32, #tpu.memory_space<vmem>>, vector<16x1x128xf32>
    tpu.vector_store %arg4[%swap3A_388, %swap3A_389, %swap3A_390], %select_n3A_387 {strides = array<i32>} : memref<16x1x128xf32, #tpu.memory_space<vmem>>, vector<16x1x128xf32>,
    return
  }
}

</mosaic_0001>

<sc_bundles>
// kernel: kernel.6.cloned.1.call-start
scs
__scs_entry_jumppad:
0x0: {  	(pc) =	sbr.rel $0x88, $3  }
0x1: {  	(tag) =	ssettag $0x0;
	lr =	simm.s32 $0x1  }
0x2: {  	[smem:$0x3F9C] =	sst lr;
	_ =	strace $0xD0000000  }
0x3: {  	_ = 	snop  }
0x4: {  	_ = 	snop  }
0x5: {  	_ = 	snop  }
0x6: {  	_ = 	snop  }
0x7: {  	_ = 	snop  }
__scs_overlays_trampoline_lowered:
0x8: {  	[smem:$0x3FAB] =	sst s0  }
0x9: {  	[smem:$0x3FAC] =	sst s1  }
0xa: {  	[smem:$0x3FAD] =	sst s2  }
0xb: {  	[smem:$0x3FAE] =	sst s3  }
0xc: {  	[smem:$0x3FAF] =	sst s4  }
0xd: {  	[smem:$0x3FB0] =	sst s5  }
0xe: {  	[smem:$0x3FB1] =	sst s6  }
0xf: {  	[smem:$0x3FB2] =	sst s7  }
0x10: {  	[smem:$0x3FB3] =	sst s8  }
0x11: {  	[smem:$0x3FB4] =	sst s9;
	s0 =	simm.s32 @!p0 $0x0  }
0x12: {  	s1 =	sld [smem:$0x3F9A];
	s0 =	simm.s32 @p0 $0x1  }
0x13: {  	[smem:$0x3FB5] =	sst s0;
	s0 =	simm.s32 @!p1 $0x0  }
0x14: {  	s2 =	sld [smem:$0x3F99];
	s0 =	simm.s32 @p1 $0x1  }
0x15: {  	[smem:$0x3FB6] =	sst s0;
	s0 =	simm.s32 @!p2 $0x0  }
0x16: {  	s3 =	sld [smem:$0x3FDB];
	s0 =	simm.s32 @p2 $0x1  }
0x17: {  	s4 =	simm.s32 $0x1BF5;
	[smem:$0x3FB8] =	sst s0  }
0x18: {  	s0 =	sld [smem:$0x3F9B];
	_ =	swait.ge [sflag:s4], $0x0  }
0x19: {  	s7 =	sld [smem:$0x3F9C]  }
0x1a: {  	s8 =	sadd.s32 $0xFFFFE003, lr  }
0x1b: {  	s9 =	sadd.s32 $0xFFFFFEF7, lr;
	s5 =	simm.s32 $0xFFFFFFFF;
	p2 =	slt.u32 s8, $0xFFFFF086  }
0x1c: {  	p1 =	slt.u32 s9, $0xF7A;
	s5 =	simm.s32 @!p2 $0x0  }
0x1d: {  	s5 =	simm.s32 @p1 $0x1;
	p0 =	seq.s32 s7, s2  }
0x1e: {  	s7 =	smul.u32 @!p0 $0xF7A, s2;
	p2 =	seq.s32 @!p0 s5, $0x0  }
0x1f: {  	s9 =	smul.u32 $0xF7A, s1;
	s8 =	simm.s32 @!p0 $0x1BF5;
	p2 =	por !p2, p0  }
0x20: {  	[sflag:s8] =	ssyncset.s32 @!p0 $0xFFFFF086;
	s6 =	sadd.s32 @!p0 s3, s7;
	s7 =	simm.s32 @!p0 $0x108  }
0x21: {  	s3 =	sadd.s32 s3, s9;
	s6 =	sadd.s32 @!p0 $0x88, s6;
	s7 =	simm.s32 @p2 $0x1082  }
0x22: {  	[simem:s7], [sflag:s8] =	dma.local @!p0 [hbm:s6], $0xF7A  }
0x23: {  	s9 =	sor.u32 $0xD0000000, s2;
	s6 =	simm.s32 $0x108;
	_ =	swait.ge @!p0 [sflag:s8], $0x0  }
0x24: {  	s3 =	sadd.s32 $0x88, s3;
	s6 =	simm.s32 @!p1 $0x1082;
	[sflag:s4] =	ssyncset.s32 $0xFFFFF086  }
0x25: {  	[simem:s6], [sflag:s4] =	dma.local [hbm:s3], $0xF7A  }
0x26: {  	[smem:$0x3F9C] =	sst s1;
	(tag) =	ssettag s2;
	_ =	strace s9  }
0x27: {  	s1 =	sld [smem:$0x3FAC]  }
0x28: {  	s2 =	sld [smem:$0x3FAD]  }
0x29: {  	s4 =	sld [smem:$0x3FAF]  }
0x2a: {  	p0 =	seq.s32 s5, $0x0;
	s5 =	sld [smem:$0x3FB0]  }
0x2b: {  	s6 =	sld [smem:$0x3FB1]  }
0x2c: {  	s7 =	sld [smem:$0x3FB2]  }
0x2d: {  	s3 =	simm.s32 $0x108;
	s8 =	sld [smem:$0x3FB3]  }
0x2e: {  	s3 =	simm.s32 @!p0 $0x1082;
	s9 =	sld [smem:$0x3FB4]  }
0x2f: {  	lr =	sadd.s32 s0, s3;
	s0 =	sld [smem:$0x3FAB]  }
0x30: {  	s3 =	sld [smem:$0x3FAE]  }
0x31: {  	[smem:$0x3FB7] =	sst s10  }
0x32: {  	s10 =	sld [smem:$0x3FB5];
	_ =	sdelay $0x3  }
0x33: {  	p0 =	seq.s32 s10, $0x1;
	s10 =	sld [smem:$0x3FB7];
	_ =	sdelay $0x3  }
0x34: {  	[smem:$0x3FB7] =	sst s10  }
0x35: {  	s10 =	sld [smem:$0x3FB6];
	_ =	sdelay $0x3  }
0x36: {  	p1 =	seq.s32 s10, $0x1;
	s10 =	sld [smem:$0x3FB7];
	_ =	sdelay $0x3  }
0x37: {  	[smem:$0x3FB7] =	sst s10  }
0x38: {  	s10 =	sld [smem:$0x3FB8]  }
0x39: {  	_ = 	snop;
	(pc) =	sbr.ind lr, $3  }
0x3a: {  	_ = 	snop  }
0x3b: {  	_ = 	snop  }
0x3c: {  	p2 =	seq.s32 s10, $0x1;
	s10 =	sld [smem:$0x3FB7]  }
0x3d: {  	_ =	shalt  }
0x3e: {  	_ =	shalt  }
0x3f: {  	_ =	shalt  }
0x40: {  	_ =	shalt  }
0x41: {  	_ =	shalt  }
0x42: {  	_ =	shalt  }
0x43: {  	_ =	shalt  }
0x44: {  	_ =	shalt  }
0x45: {  	_ =	shalt  }
0x46: {  	_ =	shalt  }
0x47: {  	_ =	shalt  }
0x48: {  	_ =	shalt  }
0x49: {  	_ =	shalt  }
0x4a: {  	_ =	shalt  }
0x4b: {  	_ =	shalt  }
0x4c: {  	_ =	shalt  }
0x4d: {  	_ =	shalt  }
0x4e: {  	_ =	shalt  }
0x4f: {  	_ =	shalt  }
0x50: {  	_ =	shalt  }
0x51: {  	_ =	shalt  }
0x52: {  	_ =	shalt  }
0x53: {  	_ =	shalt  }
0x54: {  	_ =	shalt  }
0x55: {  	_ =	shalt  }
0x56: {  	_ =	shalt  }
0x57: {  	_ =	shalt  }
0x58: {  	_ =	shalt  }
0x59: {  	_ =	shalt  }
0x5a: {  	_ =	shalt  }
0x5b: {  	_ =	shalt  }
0x5c: {  	_ =	shalt  }
0x5d: {  	_ =	shalt  }
0x5e: {  	_ =	shalt  }
0x5f: {  	_ =	shalt  }
0x60: {  	_ =	shalt  }
0x61: {  	_ =	shalt  }
0x62: {  	_ =	shalt  }
0x63: {  	_ =	shalt  }
0x64: {  	_ =	shalt  }
0x65: {  	_ =	shalt  }
0x66: {  	_ =	shalt  }
0x67: {  	_ =	shalt  }
0x68: {  	_ =	shalt  }
0x69: {  	_ =	shalt  }
0x6a: {  	_ =	shalt  }
0x6b: {  	_ =	shalt  }
0x6c: {  	_ =	shalt  }
0x6d: {  	_ =	shalt  }
0x6e: {  	_ =	shalt  }
0x6f: {  	_ =	shalt  }
0x70: {  	_ =	shalt  }
0x71: {  	_ =	shalt  }
0x72: {  	_ =	shalt  }
0x73: {  	_ =	shalt  }
0x74: {  	_ =	shalt  }
0x75: {  	_ =	shalt  }
0x76: {  	_ =	shalt  }
0x77: {  	_ =	shalt  }
0x78: {  	_ =	shalt  }
0x79: {  	_ =	shalt  }
0x7a: {  	_ =	shalt  }
0x7b: {  	_ =	shalt  }
0x7c: {  	_ =	shalt  }
0x7d: {  	_ =	shalt  }
0x7e: {  	_ =	shalt  }
0x7f: {  	_ =	shalt  }
0x80: {  	_ =	shalt  }
0x81: {  	_ =	shalt  }
0x82: {  	_ =	shalt  }
0x83: {  	_ =	shalt  }
0x84: {  	_ =	shalt  }
0x85: {  	_ =	shalt  }
0x86: {  	_ =	shalt  }
0x87: {  	_ =	shalt  }
.Lfunc_end0:
.L_simem_size_0:
called_computation_lowered:
.L_overlay_start_0:
0x88: {  	s2 =	sld [smem:$0x3FD9]  }
0x89: {  	s3 =	sld [smem:$0x3FFE];
	_ =	sdelay $0x1  }
0x8a: {  	s1 =	srdreg.scid  }
0x8b: {  	s0 =	sand.u32 $0x1, s1  }
0x8c: {  	s16 =	sshll.u32 s0, $0xA;
	s2 =	sadd.s32 s3, s2  }
0x8d: {  	s2 =	sadd.s32 s2, s16  }
0x8e: {  	[smem:$0x3FC3] =	sst s2  }
0x8f: {  	_ = 	snop  }
0x90: {  	(tm) =	ssettm $0x1  }
0x91: {  	s17 =	sld [smem:$0x3FFB];
	_ =	sdelay $0x3  }
0x92: {  	_ =	strace s17  }
0x93: {  	s2 =	sld [smem:$0x3FFC];
	_ =	sdelay $0x3  }
0x94: {  	_ =	strace s2  }
0x95: {  	s2 =	sld [smem:$0x3FFD];
	_ =	sdelay $0x3  }
0x96: {  	_ =	strace s2  }
0x97: {  	_ =	strace $0x8FFFFFFF  }
0x98: {  	s18 =	sld [smem:$0x3FDB];
	_ =	sdelay $0x1  }
0x99: {  	s19 =	simm.s32 $_scs_section_size  }
0x9a: {  	s4 =	simm.s32 $_size__tile_overlayer_lowered;
	s5 =	simm.s32 $_tile_overlayer_lowered  }
0x9b: {  	s22 =	simm.s32 $0x1BFF;
	s21 =	sshll.u32 s5, $0x1;
	s2 =	sadd.s32 s19, s18  }
0x9c: {  	s6 =	simm.s32 $0x0;
	s20 =	sshll.u32 s4, $0x1;
	s4 =	sadd.s32 s21, s2  }
0x9d: {  	[timem:s6], [sflag:s22] =	dma.local [hbm:s4], s20  }
0x9e: {  	_ =	swait.ge [sflag:s22], s20  }
0x9f: {  	s3 =	ssub.s32 $0x0, s20;
	[sflag:s22] =	ssyncset.done $0x0  }
0xa0: {  	[sflag:s22] =	ssyncadd.s32 s3;
	_ =	sdelay $0x1  }
0xa1: {  	s23 =	simm.s32 $0x1B8B  }
0xa2: {  	_ =	swait.ge [sflag:s23], $0x1  }
0xa3: {  	[sflag:s23] =	ssyncset.done $0x0  }
0xa4: {  	s25 =	simm.s32 $0x1B8E;
	s24 =	sld [smem:$0x3FFE];
	[sflag:s23] =	ssyncadd.s32 $0xFFFFFFFF  }
0xa5: {  	s26 =	simm.s32 $execute0_lowered;
	[smem:$0x3FD2] =	sst s25  }
0xa6: {  	s4 =	sshll.u32 s26, $0x1;
	_ =	strace $0x80000046;
	[dreg:$0x1] =	wrdreg $0xFFFFFFFF  }
0xa7: {  	s28 =	simm.s32 $_size_execute0_lowered;
	s2 =	sadd.s32 s2, s4;
	[dreg:$0x0] =	wrdreg $0x0  }
0xa8: {  	s4 =	sshll.u32 s28, $0x1;
	[dreg:$0x2] =	wrdreg s2  }
0xa9: {  	[dreg:$0x3] =	wrdreg s4  }
0xaa: {  	[dreg:$0x4] =	wrdreg $0xC0  }
0xab: {  	_ =	task [dreg:s6], $0x5FFFF  }
0xac: {  	[dreg:$0x1] =	wrdreg $0xFFFFFFFF  }
0xad: {  	[dreg:$0x0] =	wrdreg $0x60  }
0xae: {  	[dreg:$0x2] =	wrdreg s24  }
0xaf: {  	[dreg:$0x3] =	wrdreg $0x9  }
0xb0: {  	_ =	task.clear_ibuf [dreg:s6], $0x4FFFF;
	_ =	strace $0x90000046  }
0xb1: {  	s29 =	simm.s32 $0x9;
	_ =	strace $0x80000048  }
0xb2: {  	_ =	swait.ge [sflag:s29], $0x1  }
0xb3: {  	[sflag:s29] =	ssyncadd.s32 $0xFFFFFFFF  }
0xb4: {  	_ =	strace $0x90000048  }
0xb5: {  	_ =	sfence  }
0xb6: {  	s30 =	sld [smem:$0x0];
	_ =	sdelay $0x2  }
0xb7: {  	s31 =	sshll.u32 s1, $0xD;
	s1 =	sshrl.u32 s1, $0x2  }
0xb8: {  	s3 =	sand.u32 $0x4000, s31;
	s1 =	sadd.s32 s1, s30  }
0xb9: {  	s0 =	sor.u32 s3, s0;
	s1 =	sshll.u32 s1, $0x11  }
0xba: {  	s0 =	sor.u32 s1, s0  }
0xbb: {  	s0 =	sadd.s32 $0x8F2B, s0  }
0xbc: {  	[sflag:s0] =	ssyncadd.remote.s32 $0x1  }
0xbd: {  	_ =	sfence.sel $0xFFFF  }
0xbe: {  	[dreg:$0x0] =	wrdreg $0xFFFFFFFF;
	(pc) =	sbr.abs _section_cstart, $3  }
0xbf: {  	[dreg:$0x1] =	wrdreg $0xFFFFFFFF  }
0xc0: {  	_ =	task.clear_ibuf [dreg:s6], $0x2FFFF;
	_ =	strace $0x9FFFFFFF  }
0xc1: {  	(tm) =	ssettm $0x7FFFFFFF  }
tec
execute0_lowered:
.L_overlay_start_1:
0x0: {  	(tag) =	ssettag $0x1  }
0x1: {  	s1 =	stileid.u32  }
0x2: {  	p0 =	sgt.u32 s1, $0x7  }
.Ltmp0:
0x3: {  	_ = 	snop;
	(pc) =	sbr.rel @p0 .LBB2_5-.Ltmp0, $4  }
0x4: {  	_ = 	snop  }
0x5: {  	s3 =	rddreg [dreg:$0x0];
	s2 =	simm.s32 $0x0  }
0x6: {  	[smem:$0x7FF] =	sst s2  }
0x7: {  	s0 =	rddreg [dreg:$0x1];
	_ =	strace $0x80000047  }
0x8: {  	s4 =	srdreg.scid  }
0x9: {  	s5 =	sshll.u32 s1, $0x8;
	s6 =	sshrl.u32 s1, $0x2;
	s8 =	sadd.s32 $0x1400, s3  }
0xa: {  	s10 =	simm.s32 $0x5000;
	s11 =	simm.s32 $0x5080;
	s4 =	sand.u32 $0x1, s4  }
0xb: {  	s5 =	sand.u32 $0x300, s5;
	s30 =	sshll.u32 s6, $0xA;
	s7 =	sshll.u32 s4, $0x7  }
0xc: {  	s6 =	smul.u32 $0x28000, s6;
	s4 =	ssub.s32 $0x2, s4;
	s5 =	sor.u32 s7, s5  }
0xd: {  	s12 =	simm.s32 $0x0;
	s9 =	sshrl.u32 s4, $0x1;
	s7 =	sor.u32 s30, s5  }
0xe: {  	s5 =	sor.u32 s6, s5;
	s31 =	ssub.s32 s4, s9;
	s9 =	simm.s32 $0x1  }
0xf: {  	s7 =	sshrl.u32 s7, $0x3;
	s5 =	sshrl.u32 s5, $0x3;
	s6 =	smax.u32 s31, $0x1  }
0x10: {  	s7 =	sadd.s32 s7, s3;
	s5 =	sadd.s32 s8, s5;
	s8 =	simm.s32 $0x400  }
0x11: {  	v0 =	vimm.f32 $0.0e+00;
	s3 =	sadd.s32 $0x1200, s7;
	s4 =	sadd.s32 $0xB400, s7;
	s7 =	simm.s32 $0x80  }
.LBB2_2:
0x12: {  	s13 =	simm.s32 $0x0  }
0x13: {  	[tilespmem:s13], [sflag:$0x1] =	stream.strided.gather [hbm4b:s5+s7], $0x5000, s8, s7, $0x38;
	[tilespmem:$0x5100] =	vst v63  }
0x14: {  	_ =	swait.ge [sflag:s9], $0x5000  }
0x15: {  	[sflag:s9] =	ssyncset.done $0x0  }
0x16: {  	[sflag:s9] =	ssyncadd.s32 $0xFFFFB000  }
0x17: {  	[tilespmem:s10], [sflag:$0x1] =	stream.linear.gather [hbm4b:s3+s13], $0x80, $0x38;
	[tilespmem:$0x5100] =	vst v63  }
0x18: {  	_ =	swait.ge [sflag:s9], $0x80  }
0x19: {  	[sflag:s9] =	ssyncset.done $0x0  }
0x1a: {  	[sflag:s9] =	ssyncadd.s32 $0xFFFFFF80  }
0x1b: {  	s14 =	simm.s32 $0x0;
	v1 =	vld [tilespmem:$0x5000]  }
0x1c: {  	v4 =	vld [tilespmem:s14+$0x0]  }
0x1d: {  	v2 =	vimm.f32 $0.0e+00;
	v3 =	vimm.f32 $0.0e+00;
	s13 =	simm.s32 $0x40  }
.LBB2_3:
0x1e: {  	p0 =	sne.s32 s13, $0x13FC0  }
.Ltmp1:
0x1f: {  	_ = 	snop;
	(pc) =	sbr.rel @p0 .LBB2_3-.Ltmp1, $4  }
0x20: {  	_ = 	snop  }
0x21: {  	s14 =	sshra.s32 s13, $0x2;
	s13 =	sadd.s32 $0x40, s13;
	vm0 =	vgt.f32 v4, v1  }
0x22: {  	v5 =	vsel vm0, $0x3F800000, v0;
	v6 =	vnsel vm0, $0x0, v4;
	v4 =	vld [tilespmem:s14+$0x0]  }
0x23: {  	v2 =	vadd.f32 v5, v2;
	v3 =	vadd.f32 v6, v3  }
0x24: {  	_ =	sdelay $0x2  }
0x25: {  	vm0 =	vgt.f32 v4, v1  }
0x26: {  	v1 =	vsel vm0, $0x3F800000, v0  }
0x27: {  	v4 =	vnsel vm0, $0x0, v4;
	v1 =	vadd.f32 v1, v2  }
0x28: {  	s12 =	sadd.s32 $0x1, s12;
	v2 =	vadd.f32 v4, v3  }
0x29: {  	p0 =	sne.s32 s12, s6;
	[tilespmem:$0x5080] =	vst v1  }
.Ltmp2:
0x2a: {  	[tilespmem:$0x5090] =	vst v2;
	(pc) =	sbr.rel @p0 .LBB2_2-.Ltmp2, $4  }
0x2b: {  	[hbm4b:s4+s2] =	stream.linear.scatter [tilespmem:s11], [sflag:$0x1], $0x80, $0x38;
	[tilespmem:$0x5100] =	vst v63  }
0x2c: {  	_ =	swait.ge [sflag:s9], $0x80  }
0x2d: {  	[sflag:s9] =	ssyncset.done $0x0  }
0x2e: {  	[sflag:s9] =	ssyncadd.s32 $0xFFFFFF80  }
.LBB2_5:
0x2f: {  	_ =	sfence.sel $0x180000  }
0x30: {  	[bflag:$0x0] =	sbarrier.arrive $0xFFFF  }
0x31: {  	p0 =	sne.s32 s1, $0x0;
	_ =	strace $0x90000047  }
0x32: {  	s0 =	sadd.s32 @!p0 $0x100000, s0;
	[bflag:$0x2] =	sbarrier.arrive $0xFFFF  }
0x33: {  	[sflag:s0] =	ssyncadd.tile.s32 @!p0 $0x1;
	_ =	shalt  }
.Lfunc_end2:
_tile_overlayer_lowered:
.L_overlay_start_2:
0x34: {  	(tag) =	ssettag $0x2  }
0x35: {  	s0 =	rddreg [dreg:$0x0];
	s2 =	stileid.u32  }
0x36: {  	s1 =	rddreg [dreg:$0x1];
	p0 =	sne.s32 s2, $0x0  }
0x37: {  	s3 =	rddreg [dreg:$0x2];
	[bflag:$0x3] =	sbarrier.arrive $0xFFFF;
	s2 =	simm.s32 @!p0 $0x1C01  }
0x38: {  	[timem:s3], [sflag:s2] =	dma.local @!p0 [hbm:s0], s1  }
0x39: {  	s0 =	simm.s32 @!p0 $0x1  }
0x3a: {  	_ =	swait.ge @!p0 [sflag:s0], s1  }
0x3b: {  	s1 =	ssub.s32 @!p0 $0x0, s1;
	[sflag:s0] =	ssyncset.done @!p0 $0x0  }
0x3c: {  	[sflag:s0] =	ssyncadd.s32 @!p0 s1  }
0x3d: {  	[bflag:$0x3] =	sbarrier.arrive $0xFFFF  }
0x3e: {  	_ =	shalt  }

</sc_bundles>
